<compile_context>
chip_gen: v7x
topology: tpu7x:2x2x1
jax: 0.10.2.dev20260603
libtpu: 0.0.44.dev20260713+nightly
codegen_flags: <defaults>
</compile_context>

<pallas_src>
import functools

import jax
import jax.numpy as jnp
from jax import lax
from jax.experimental import pallas as pl
from jax.experimental.pallas import tpu as pltpu
from jax.experimental.pallas import tpu_sc as plsc

_N_BINS = 8
_P = 1024
_D = 64
_G = 64
_T = 4608
_SLICES = (2048, 2048, 512)
_NW = 32
_CW = 16
_TILE = 512


def _onehot_cat(v, edges_ref):
    gt = [(v > edges_ref[i]).astype(jnp.bfloat16) for i in range(7)]
    ohs = [1.0 - gt[0]]
    for b in range(1, 7):
        ohs.append(gt[b - 1] - gt[b])
    ohs.append(gt[6])
    return jnp.concatenate(ohs, axis=1)


def _match_kernel(edges_ref, x_ref, pat_ref, val_ref, poh_ref, rf_ref):
    @pl.when(pl.program_id(0) == 0)
    def _init():
        poh_ref[...] = _onehot_cat(pat_ref[...], edges_ref)
        iot = lax.broadcasted_iota(jnp.int32, (_P, 1), 0)
        rf_ref[...] = ((_P - 1) - iot).astype(jnp.float32) * (1.0 / _P)

    a_cat = _onehot_cat(x_ref[...], edges_ref)
    acc = lax.dot_general(
        poh_ref[...], a_cat, (((1,), (1,)), ((), ())),
        preferred_element_type=jnp.float32)

    val = acc + rf_ref[...]
    gmax = jnp.max(val.reshape(_G, 16, val.shape[1]), axis=1)
    val_ref[...] = gmax.T


def _sc_argmax(val_hbm, best_hbm, score_hbm, buf, tmp, bb, sb, *, tpw):
    wid = lax.axis_index("s") * 2 + lax.axis_index("c")
    tbase = wid * tpw
    lane = lax.iota(jnp.int32, 16)

    def chunk_body(c, _):
        pltpu.sync_copy(val_hbm.at[pl.ds(tbase + c * _CW, _CW), :], buf)

        def tok_body(t, m_all):
            m16 = buf[t, pl.ds(0, 16)]
            for g in range(1, _G // 16):
                m16 = jnp.maximum(m16, buf[t, pl.ds(g * 16, 16)])
            for sh in (8, 4, 2, 1):
                tmp[pl.ds(0, 16)] = m16
                tmp[pl.ds(16, 16)] = m16
                m16 = jnp.maximum(m16, tmp[pl.ds(sh, 16)])
            return jnp.where(lane == t, m16, m_all)

        m_all = lax.fori_loop(0, _CW, tok_body,
                              jnp.full((16,), -1.0, jnp.float32))
        cnt = m_all.astype(jnp.int32)
        cf = cnt.astype(jnp.float32)
        k = ((m_all - cf) * float(_P)).astype(jnp.int32)
        bb[pl.ds(c * _CW, _CW)] = (_P - 1) - k
        sb[pl.ds(c * _CW, _CW)] = cf * (1.0 / _D)
        return 0

    lax.fori_loop(0, tpw // _CW, chunk_body, 0)
    pltpu.sync_copy(bb, best_hbm.at[pl.ds(tbase, tpw)])
    pltpu.sync_copy(sb, score_hbm.at[pl.ds(tbase, tpw)])


@functools.lru_cache(maxsize=None)
def _make_sc_argmax(ts):
    tpw = ts // _NW

    @functools.partial(
        pl.kernel,
        mesh=plsc.VectorSubcoreMesh(core_axis_name="c", subcore_axis_name="s"),
        out_type=[
            jax.ShapeDtypeStruct((ts,), jnp.int32),
            jax.ShapeDtypeStruct((ts,), jnp.float32),
        ],
        scratch_types=[
            pltpu.VMEM((_CW, _G), jnp.float32),
            pltpu.VMEM((32,), jnp.float32),
            pltpu.VMEM((tpw,), jnp.int32),
            pltpu.VMEM((tpw,), jnp.float32),
        ],
    )
    def _call(val_hbm, best_hbm, score_hbm, buf, tmp, bb, sb):
        _sc_argmax(val_hbm, best_hbm, score_hbm, buf, tmp, bb, sb, tpw=tpw)

    return _call


def kernel(x, patterns, quantize_edges):
    B, S, D = x.shape
    x2 = x.reshape(B * S, D)
    bests, scores = [], []
    base = 0
    for ts in _SLICES:
        n_steps = ts // _TILE
        step0 = base // _TILE
        val = pl.pallas_call(
            _match_kernel,
            grid=(n_steps,),
            in_specs=[
                pl.BlockSpec(memory_space=pltpu.SMEM),
                pl.BlockSpec((_TILE, D),
                             lambda i, step0=step0: (step0 + i, 0)),
                pl.BlockSpec((_P, D), lambda i: (0, 0)),
            ],
            out_specs=pl.BlockSpec((_TILE, _G), lambda i: (i, 0)),
            out_shape=jax.ShapeDtypeStruct((ts, _G), jnp.float32),
            scratch_shapes=[
                pltpu.VMEM((_P, _N_BINS * _D), jnp.bfloat16),
                pltpu.VMEM((_P, 1), jnp.float32),
            ],
        )(quantize_edges, x2, patterns)
        b1, s1 = _make_sc_argmax(ts)(val)
        bests.append(b1)
        scores.append(s1)
        base += ts
    best = jnp.concatenate(bests)
    score = jnp.concatenate(scores)
    return best.reshape(B, S), score.reshape(B, S)

# --- scband reference (transcript-rebuilt; emitter-appended) ---
"""Pipeline reference for scband-quantized-pattern-matcher-11768210391675 (READ-ONLY COPY).

The authoritative reference and input builder live on the scoring server;
editing this copy changes nothing except your own understanding.
"""

import jax, jax.numpy as jnp
import numpy as np


def setup_inputs(seed: int = 0) -> dict:
    key = jax.random.key(seed)
    k1, k2 = jax.random.split(key)
    x = jax.random.normal(k1, (8, 576, 64), dtype=jnp.float32)
    patterns = jax.random.normal(k2, (1024, 64), dtype=jnp.float32)
    quantize_edges = jnp.linspace(-2.0, 2.0, 7).astype(jnp.float32)
    return {"x": x, "patterns": patterns, "quantize_edges": quantize_edges}


def reference(x, patterns, quantize_edges):
    # quantize input: (B, S, D) -> int bins in [0, n_bins-1]
    qi = (x[..., None] > quantize_edges).sum(-1)  # [B, S, D]
    # quantize patterns: (1, P, D)
    qp = (patterns[None][..., None] > quantize_edges).sum(-1)  # [1, P, D]
    # fraction of matching quantized dims per (token, pattern)
    matches = (qi[:, :, None, :] == qp[0][None, None, :, :]).astype(jnp.float32).mean(-1)  # [B, S, P]
    best_patterns = jnp.argmax(matches, axis=-1)
    match_scores = jnp.max(matches, axis=-1)
    return best_patterns, match_scores

if __name__ == "__main__":
    import jax
    _d = setup_inputs()
    print(jax.jit(kernel)(*tuple(_d.values())))

</pallas_src>

<mosaic_0001>
#map = affine_map<(d0, d1) -> (0, 0)>
#map1 = affine_map<(d0, d1) -> (0)>
module attributes {stable_mosaic.version = 14 : i64} {
  func.func @_call(%arg0: i32, %arg1: i32, %arg2: memref<512x64xf32, #tpu.memory_space<hbm>>, %arg3: memref<512xi32, #tpu.memory_space<hbm>>, %arg4: memref<512xf32, #tpu.memory_space<hbm>>, %arg5: memref<16x64xf32, #tpu.memory_space<vmem>>, %arg6: memref<32xf32, #tpu.memory_space<vmem>>, %arg7: memref<16xi32, #tpu.memory_space<vmem>>, %arg8: memref<16xf32, #tpu.memory_space<vmem>>) attributes {dimension_semantics = [#tpu.dimension_semantics<core_parallel>, #tpu.dimension_semantics<subcore_parallel>], iteration_bounds = array<i64: 2, 16>, scalar_prefetch = 0 : i64, scratch_operands = 4 : i64, tpu.core_type = #tpu.core_type<sc_vector_subcore>, window_params = [{transform_indices = #map}, {transform_indices = #map1}, {transform_indices = #map1}]} {
    %mul3A = arith.constant 2 : i32
    %mul3A_0 = arith.muli %arg1, %mul3A : i32
    %add3A = arith.addi %mul3A_0, %arg0 : i32
    %mul3A_1 = arith.constant 16 : i32
    %mul3A_2 = arith.muli %add3A, %mul3A_1 : i32
    %iota3A = tpu.iota {dimensions = array<i32: 0>} : vector<16xi32>
    %scan3A = arith.constant 0 : i32
    %scan3A_3 = arith.constant 0 : i32
    %mul3A_4 = arith.constant 16 : i32
    %mul3A_5 = arith.muli %scan3A_3, %mul3A_4 : i32
    %add3A_6 = arith.addi %mul3A_2, %mul3A_5 : i32
    "tpu.region"() ({
      %run_scoped3A = tpu.sem_alloc : memref<!tpu.dma_semaphore, #tpu.memory_space<semaphore_mem>>
      %dma_start3A = arith.constant 0 : i32
      %dma_start3A_38 = tpu.memref_slice %arg2[%add3A_6, %dma_start3A] : memref<512x64xf32, #tpu.memory_space<hbm>> -> memref<16x64xf32, #tpu.memory_space<hbm>>
      %dma_start3A_39 = arith.constant 0 : i32
      %dma_start3A_40 = tpu.memref_slice %arg2[%add3A_6, %dma_start3A_39] : memref<512x64xf32, #tpu.memory_space<hbm>> -> memref<16x64xf32, #tpu.memory_space<hbm>>
      tpu.enqueue_dma source(%dma_start3A_40 : memref<16x64xf32, #tpu.memory_space<hbm>>) target(%arg5 : memref<16x64xf32, #tpu.memory_space<vmem>>) target_semaphore(%run_scoped3A : memref<!tpu.dma_semaphore, #tpu.memory_space<semaphore_mem>>)
      %dma_wait3A = arith.constant 0 : i32
      %dma_wait3A_41 = tpu.memref_slice %arg2[%add3A_6, %dma_wait3A] : memref<512x64xf32, #tpu.memory_space<hbm>> -> memref<16x64xf32, #tpu.memory_space<hbm>>
      %dma_wait3A_42 = arith.constant 0 : i32
      %dma_wait3A_43 = tpu.memref_slice %arg2[%add3A_6, %dma_wait3A_42] : memref<512x64xf32, #tpu.memory_space<hbm>> -> memref<16x64xf32, #tpu.memory_space<hbm>>
      tpu.wait_dma2 semaphore(%run_scoped3A : memref<!tpu.dma_semaphore, #tpu.memory_space<semaphore_mem>>) src(%dma_wait3A_43 : memref<16x64xf32, #tpu.memory_space<hbm>>) dst(%arg5 : memref<16x64xf32, #tpu.memory_space<vmem>>)
      tpu.yield
    }) : () -> ()
    %broadcast_in_dim3A = arith.constant -1.000000e+00 : f32
    %broadcast_in_dim3A_7 = vector.broadcast %broadcast_in_dim3A : f32 to vector<16xf32>
    %scan3A_8 = arith.constant 0 : i32
    %scan3A_9 = arith.constant 16 : i32
    %scan3A_10 = arith.addi %scan3A_8, %scan3A_9 : i32
    %scan3A_11 = arith.constant 1 : i32
    %scan3A_12 = scf.for %scan3A_38 = %scan3A_8 to %scan3A_10 step %scan3A_11 iter_args(%scan3A_39 = %broadcast_in_dim3A_7) -> (vector<16xf32>)  : i32 {
      %get3A = arith.index_cast %scan3A_38 : i32 to index
      %get3A_40 = arith.constant 0 : index
      %get3A_41 = tpu.vector_load %arg5[%get3A, %get3A_40] {strides = array<i32>} : memref<16x64xf32, #tpu.memory_space<vmem>>, vector<1x16xf32>,
      %get3A_42 = vector.shape_cast %get3A_41 : vector<1x16xf32> to vector<16xf32>
      %get3A_43 = arith.index_cast %scan3A_38 : i32 to index
      %get3A_44 = arith.constant 16 : index
      %get3A_45 = tpu.vector_load %arg5[%get3A_43, %get3A_44] {strides = array<i32>} : memref<16x64xf32, #tpu.memory_space<vmem>>, vector<1x16xf32>,
      %get3A_46 = vector.shape_cast %get3A_45 : vector<1x16xf32> to vector<16xf32>
      %max3A = arith.maximumf %get3A_42, %get3A_46 : vector<16xf32>
      %get3A_47 = arith.index_cast %scan3A_38 : i32 to index
      %get3A_48 = arith.constant 32 : index
      %get3A_49 = tpu.vector_load %arg5[%get3A_47, %get3A_48] {strides = array<i32>} : memref<16x64xf32, #tpu.memory_space<vmem>>, vector<1x16xf32>,
      %get3A_50 = vector.shape_cast %get3A_49 : vector<1x16xf32> to vector<16xf32>
      %max3A_51 = arith.maximumf %max3A, %get3A_50 : vector<16xf32>
      %get3A_52 = arith.index_cast %scan3A_38 : i32 to index
      %get3A_53 = arith.constant 48 : index
      %get3A_54 = tpu.vector_load %arg5[%get3A_52, %get3A_53] {strides = array<i32>} : memref<16x64xf32, #tpu.memory_space<vmem>>, vector<1x16xf32>,
      %get3A_55 = vector.shape_cast %get3A_54 : vector<1x16xf32> to vector<16xf32>
      %max3A_56 = arith.maximumf %max3A_51, %get3A_55 : vector<16xf32>
      %swap3A_57 = arith.constant 0 : index
      %swap3A_58 = tpu.vector_load %arg6[%swap3A_57] {strides = array<i32>} : memref<32xf32, #tpu.memory_space<vmem>>, vector<16xf32>,
      %swap3A_59 = vector.shape_cast %swap3A_58 : vector<16xf32> to vector<16xf32>
      %swap3A_60 = vector.shape_cast %max3A_56 : vector<16xf32> to vector<16xf32>
      tpu.vector_store %arg6[%swap3A_57], %swap3A_60 {strides = array<i32>} : memref<32xf32, #tpu.memory_space<vmem>>, vector<16xf32>,
      %swap3A_61 = arith.constant 16 : index
      %swap3A_62 = tpu.vector_load %arg6[%swap3A_61] {strides = array<i32>} : memref<32xf32, #tpu.memory_space<vmem>>, vector<16xf32>,
      %swap3A_63 = vector.shape_cast %swap3A_62 : vector<16xf32> to vector<16xf32>
      %swap3A_64 = vector.shape_cast %max3A_56 : vector<16xf32> to vector<16xf32>
      tpu.vector_store %arg6[%swap3A_61], %swap3A_64 {strides = array<i32>} : memref<32xf32, #tpu.memory_space<vmem>>, vector<16xf32>,
      %get3A_65 = arith.constant 8 : index
      %get3A_66 = tpu.vector_load %arg6[%get3A_65] {strides = array<i32>} : memref<32xf32, #tpu.memory_space<vmem>>, vector<16xf32>,
      %get3A_67 = vector.shape_cast %get3A_66 : vector<16xf32> to vector<16xf32>
      %max3A_68 = arith.maximumf %max3A_56, %get3A_67 : vector<16xf32>
      %swap3A_69 = arith.constant 0 : index
      %swap3A_70 = tpu.vector_load %arg6[%swap3A_69] {strides = array<i32>} : memref<32xf32, #tpu.memory_space<vmem>>, vector<16xf32>,
      %swap3A_71 = vector.shape_cast %swap3A_70 : vector<16xf32> to vector<16xf32>
      %swap3A_72 = vector.shape_cast %max3A_68 : vector<16xf32> to vector<16xf32>
      tpu.vector_store %arg6[%swap3A_69], %swap3A_72 {strides = array<i32>} : memref<32xf32, #tpu.memory_space<vmem>>, vector<16xf32>,
      %swap3A_73 = arith.constant 16 : index
      %swap3A_74 = tpu.vector_load %arg6[%swap3A_73] {strides = array<i32>} : memref<32xf32, #tpu.memory_space<vmem>>, vector<16xf32>,
      %swap3A_75 = vector.shape_cast %swap3A_74 : vector<16xf32> to vector<16xf32>
      %swap3A_76 = vector.shape_cast %max3A_68 : vector<16xf32> to vector<16xf32>
      tpu.vector_store %arg6[%swap3A_73], %swap3A_76 {strides = array<i32>} : memref<32xf32, #tpu.memory_space<vmem>>, vector<16xf32>,
      %get3A_77 = arith.constant 4 : index
      %get3A_78 = tpu.vector_load %arg6[%get3A_77] {strides = array<i32>} : memref<32xf32, #tpu.memory_space<vmem>>, vector<16xf32>,
      %get3A_79 = vector.shape_cast %get3A_78 : vector<16xf32> to vector<16xf32>
      %max3A_80 = arith.maximumf %max3A_68, %get3A_79 : vector<16xf32>
      %swap3A_81 = arith.constant 0 : index
      %swap3A_82 = tpu.vector_load %arg6[%swap3A_81] {strides = array<i32>} : memref<32xf32, #tpu.memory_space<vmem>>, vector<16xf32>,
      %swap3A_83 = vector.shape_cast %swap3A_82 : vector<16xf32> to vector<16xf32>
      %swap3A_84 = vector.shape_cast %max3A_80 : vector<16xf32> to vector<16xf32>
      tpu.vector_store %arg6[%swap3A_81], %swap3A_84 {strides = array<i32>} : memref<32xf32, #tpu.memory_space<vmem>>, vector<16xf32>,
      %swap3A_85 = arith.constant 16 : index
      %swap3A_86 = tpu.vector_load %arg6[%swap3A_85] {strides = array<i32>} : memref<32xf32, #tpu.memory_space<vmem>>, vector<16xf32>,
      %swap3A_87 = vector.shape_cast %swap3A_86 : vector<16xf32> to vector<16xf32>
      %swap3A_88 = vector.shape_cast %max3A_80 : vector<16xf32> to vector<16xf32>
      tpu.vector_store %arg6[%swap3A_85], %swap3A_88 {strides = array<i32>} : memref<32xf32, #tpu.memory_space<vmem>>, vector<16xf32>,
      %get3A_89 = arith.constant 2 : index
      %get3A_90 = tpu.vector_load %arg6[%get3A_89] {strides = array<i32>} : memref<32xf32, #tpu.memory_space<vmem>>, vector<16xf32>,
      %get3A_91 = vector.shape_cast %get3A_90 : vector<16xf32> to vector<16xf32>
      %max3A_92 = arith.maximumf %max3A_80, %get3A_91 : vector<16xf32>
      %swap3A_93 = arith.constant 0 : index
      %swap3A_94 = tpu.vector_load %arg6[%swap3A_93] {strides = array<i32>} : memref<32xf32, #tpu.memory_space<vmem>>, vector<16xf32>,
      %swap3A_95 = vector.shape_cast %swap3A_94 : vector<16xf32> to vector<16xf32>
      %swap3A_96 = vector.shape_cast %max3A_92 : vector<16xf32> to vector<16xf32>
      tpu.vector_store %arg6[%swap3A_93], %swap3A_96 {strides = array<i32>} : memref<32xf32, #tpu.memory_space<vmem>>, vector<16xf32>,
      %swap3A_97 = arith.constant 16 : index
      %swap3A_98 = tpu.vector_load %arg6[%swap3A_97] {strides = array<i32>} : memref<32xf32, #tpu.memory_space<vmem>>, vector<16xf32>,
      %swap3A_99 = vector.shape_cast %swap3A_98 : vector<16xf32> to vector<16xf32>
      %swap3A_100 = vector.shape_cast %max3A_92 : vector<16xf32> to vector<16xf32>
      tpu.vector_store %arg6[%swap3A_97], %swap3A_100 {strides = array<i32>} : memref<32xf32, #tpu.memory_space<vmem>>, vector<16xf32>,
      %get3A_101 = arith.constant 1 : index
      %get3A_102 = tpu.vector_load %arg6[%get3A_101] {strides = array<i32>} : memref<32xf32, #tpu.memory_space<vmem>>, vector<16xf32>,
      %get3A_103 = vector.shape_cast %get3A_102 : vector<16xf32> to vector<16xf32>
      %max3A_104 = arith.maximumf %max3A_92, %get3A_103 : vector<16xf32>
      %eq3A = vector.broadcast %scan3A_38 : i32 to vector<16xi32>
      %eq3A_105 = arith.cmpi eq, %iota3A, %eq3A : vector<16xi32>
      %select_n3A = arith.select %eq3A_105, %max3A_104, %scan3A_39 : vector<16xi1>, vector<16xf32>
      scf.yield %select_n3A : vector<16xf32>
    }
    %scan3A_13 = arith.constant 16 : i32
    %convert_element_type3A = arith.fptosi %scan3A_12 : vector<16xf32> to vector<16xi32>
    %convert_element_type3A_14 = arith.sitofp %convert_element_type3A : vector<16xi32> to vector<16xf32>
    %sub3A = arith.subf %scan3A_12, %convert_element_type3A_14 : vector<16xf32>
    %mul3A_15 = arith.constant 1.024000e+03 : f32
    %mul3A_16 = vector.broadcast %mul3A_15 : f32 to vector<16xf32>
    %mul3A_17 = arith.mulf %sub3A, %mul3A_16 : vector<16xf32>
    %convert_element_type3A_18 = arith.fptosi %mul3A_17 : vector<16xf32> to vector<16xi32>
    %sub3A_19 = arith.constant 1023 : i32
    %sub3A_20 = vector.broadcast %sub3A_19 : i32 to vector<16xi32>
    %sub3A_21 = arith.subi %sub3A_20, %convert_element_type3A_18 : vector<16xi32>
    %mul3A_22 = arith.constant 16 : i32
    %mul3A_23 = arith.muli %scan3A_3, %mul3A_22 : i32
    %swap3A = arith.index_cast %mul3A_23 : i32 to index
    %swap3A_24 = tpu.vector_load %arg7[%swap3A] {strides = array<i32>} : memref<16xi32, #tpu.memory_space<vmem>>, vector<16xi32>,
    %swap3A_25 = vector.shape_cast %swap3A_24 : vector<16xi32> to vector<16xi32>
    %swap3A_26 = vector.shape_cast %sub3A_21 : vector<16xi32> to vector<16xi32>
    tpu.vector_store %arg7[%swap3A], %swap3A_26 {strides = array<i32>} : memref<16xi32, #tpu.memory_space<vmem>>, vector<16xi32>,
    %mul3A_27 = arith.constant 1.562500e-02 : f32
    %mul3A_28 = vector.broadcast %mul3A_27 : f32 to vector<16xf32>
    %mul3A_29 = arith.mulf %convert_element_type3A_14, %mul3A_28 : vector<16xf32>
    %mul3A_30 = arith.constant 16 : i32
    %mul3A_31 = arith.muli %scan3A_3, %mul3A_30 : i32
    %swap3A_32 = arith.index_cast %mul3A_31 : i32 to index
    %swap3A_33 = tpu.vector_load %arg8[%swap3A_32] {strides = array<i32>} : memref<16xf32, #tpu.memory_space<vmem>>, vector<16xf32>,
    %swap3A_34 = vector.shape_cast %swap3A_33 : vector<16xf32> to vector<16xf32>
    %swap3A_35 = vector.shape_cast %mul3A_29 : vector<16xf32> to vector<16xf32>
    tpu.vector_store %arg8[%swap3A_32], %swap3A_35 {strides = array<i32>} : memref<16xf32, #tpu.memory_space<vmem>>, vector<16xf32>,
    %scan3A_36 = arith.constant 0 : i32
    %scan3A_37 = arith.constant 1 : i32
    "tpu.region"() ({
      %run_scoped3A = tpu.sem_alloc : memref<!tpu.dma_semaphore, #tpu.memory_space<semaphore_mem>>
      %dma_start3A = tpu.memref_slice %arg3[%mul3A_2] : memref<512xi32, #tpu.memory_space<hbm>> -> memref<16xi32, #tpu.memory_space<hbm>>
      %dma_start3A_38 = tpu.memref_slice %arg3[%mul3A_2] : memref<512xi32, #tpu.memory_space<hbm>> -> memref<16xi32, #tpu.memory_space<hbm>>
      tpu.enqueue_dma source(%arg7 : memref<16xi32, #tpu.memory_space<vmem>>) target(%dma_start3A_38 : memref<16xi32, #tpu.memory_space<hbm>>) target_semaphore(%run_scoped3A : memref<!tpu.dma_semaphore, #tpu.memory_space<semaphore_mem>>)
      %dma_wait3A = tpu.memref_slice %arg3[%mul3A_2] : memref<512xi32, #tpu.memory_space<hbm>> -> memref<16xi32, #tpu.memory_space<hbm>>
      %dma_wait3A_39 = tpu.memref_slice %arg3[%mul3A_2] : memref<512xi32, #tpu.memory_space<hbm>> -> memref<16xi32, #tpu.memory_space<hbm>>
      tpu.wait_dma2 semaphore(%run_scoped3A : memref<!tpu.dma_semaphore, #tpu.memory_space<semaphore_mem>>) src(%arg7 : memref<16xi32, #tpu.memory_space<vmem>>) dst(%dma_wait3A_39 : memref<16xi32, #tpu.memory_space<hbm>>)
      tpu.yield
    }) : () -> ()
    "tpu.region"() ({
      %run_scoped3A = tpu.sem_alloc : memref<!tpu.dma_semaphore, #tpu.memory_space<semaphore_mem>>
      %dma_start3A = tpu.memref_slice %arg4[%mul3A_2] : memref<512xf32, #tpu.memory_space<hbm>> -> memref<16xf32, #tpu.memory_space<hbm>>
      %dma_start3A_38 = tpu.memref_slice %arg4[%mul3A_2] : memref<512xf32, #tpu.memory_space<hbm>> -> memref<16xf32, #tpu.memory_space<hbm>>
      tpu.enqueue_dma source(%arg8 : memref<16xf32, #tpu.memory_space<vmem>>) target(%dma_start3A_38 : memref<16xf32, #tpu.memory_space<hbm>>) target_semaphore(%run_scoped3A : memref<!tpu.dma_semaphore, #tpu.memory_space<semaphore_mem>>)
      %dma_wait3A = tpu.memref_slice %arg4[%mul3A_2] : memref<512xf32, #tpu.memory_space<hbm>> -> memref<16xf32, #tpu.memory_space<hbm>>
      %dma_wait3A_39 = tpu.memref_slice %arg4[%mul3A_2] : memref<512xf32, #tpu.memory_space<hbm>> -> memref<16xf32, #tpu.memory_space<hbm>>
      tpu.wait_dma2 semaphore(%run_scoped3A : memref<!tpu.dma_semaphore, #tpu.memory_space<semaphore_mem>>) src(%arg8 : memref<16xf32, #tpu.memory_space<vmem>>) dst(%dma_wait3A_39 : memref<16xf32, #tpu.memory_space<hbm>>)
      tpu.yield
    }) : () -> ()
    return
  }
}

#map = affine_map<(d0, d1) -> (0, 0)>
#map1 = affine_map<(d0, d1) -> (0)>
module attributes {stable_mosaic.version = 14 : i64} {
  func.func @_call(%arg0: i32, %arg1: i32, %arg2: memref<2048x64xf32, #tpu.memory_space<hbm>>, %arg3: memref<2048xi32, #tpu.memory_space<hbm>>, %arg4: memref<2048xf32, #tpu.memory_space<hbm>>, %arg5: memref<16x64xf32, #tpu.memory_space<vmem>>, %arg6: memref<32xf32, #tpu.memory_space<vmem>>, %arg7: memref<64xi32, #tpu.memory_space<vmem>>, %arg8: memref<64xf32, #tpu.memory_space<vmem>>) attributes {dimension_semantics = [#tpu.dimension_semantics<core_parallel>, #tpu.dimension_semantics<subcore_parallel>], iteration_bounds = array<i64: 2, 16>, scalar_prefetch = 0 : i64, scratch_operands = 4 : i64, tpu.core_type = #tpu.core_type<sc_vector_subcore>, window_params = [{transform_indices = #map}, {transform_indices = #map1}, {transform_indices = #map1}]} {
    %mul3A = arith.constant 2 : i32
    %mul3A_0 = arith.muli %arg1, %mul3A : i32
    %add3A = arith.addi %mul3A_0, %arg0 : i32
    %mul3A_1 = arith.constant 64 : i32
    %mul3A_2 = arith.muli %add3A, %mul3A_1 : i32
    %iota3A = tpu.iota {dimensions = array<i32: 0>} : vector<16xi32>
    %scan3A = arith.constant 0 : i32
    %scan3A_3 = arith.constant 0 : i32
    %scan3A_4 = arith.constant 4 : i32
    %scan3A_5 = arith.addi %scan3A_3, %scan3A_4 : i32
    %scan3A_6 = arith.constant 1 : i32
    %scan3A_7 = scf.for %scan3A_9 = %scan3A_3 to %scan3A_5 step %scan3A_6 iter_args(%scan3A_10 = %scan3A) -> (i32)  : i32 {
      %mul3A_11 = arith.constant 16 : i32
      %mul3A_12 = arith.muli %scan3A_9, %mul3A_11 : i32
      %add3A_13 = arith.addi %mul3A_2, %mul3A_12 : i32
      "tpu.region"() ({
        %run_scoped3A = tpu.sem_alloc : memref<!tpu.dma_semaphore, #tpu.memory_space<semaphore_mem>>
        %dma_start3A = arith.constant 0 : i32
        %dma_start3A_44 = tpu.memref_slice %arg2[%add3A_13, %dma_start3A] : memref<2048x64xf32, #tpu.memory_space<hbm>> -> memref<16x64xf32, #tpu.memory_space<hbm>>
        %dma_start3A_45 = arith.constant 0 : i32
        %dma_start3A_46 = tpu.memref_slice %arg2[%add3A_13, %dma_start3A_45] : memref<2048x64xf32, #tpu.memory_space<hbm>> -> memref<16x64xf32, #tpu.memory_space<hbm>>
        tpu.enqueue_dma source(%dma_start3A_46 : memref<16x64xf32, #tpu.memory_space<hbm>>) target(%arg5 : memref<16x64xf32, #tpu.memory_space<vmem>>) target_semaphore(%run_scoped3A : memref<!tpu.dma_semaphore, #tpu.memory_space<semaphore_mem>>)
        %dma_wait3A = arith.constant 0 : i32
        %dma_wait3A_47 = tpu.memref_slice %arg2[%add3A_13, %dma_wait3A] : memref<2048x64xf32, #tpu.memory_space<hbm>> -> memref<16x64xf32, #tpu.memory_space<hbm>>
        %dma_wait3A_48 = arith.constant 0 : i32
        %dma_wait3A_49 = tpu.memref_slice %arg2[%add3A_13, %dma_wait3A_48] : memref<2048x64xf32, #tpu.memory_space<hbm>> -> memref<16x64xf32, #tpu.memory_space<hbm>>
        tpu.wait_dma2 semaphore(%run_scoped3A : memref<!tpu.dma_semaphore, #tpu.memory_space<semaphore_mem>>) src(%dma_wait3A_49 : memref<16x64xf32, #tpu.memory_space<hbm>>) dst(%arg5 : memref<16x64xf32, #tpu.memory_space<vmem>>)
        tpu.yield
      }) : () -> ()
      %broadcast_in_dim3A = arith.constant -1.000000e+00 : f32
      %broadcast_in_dim3A_14 = vector.broadcast %broadcast_in_dim3A : f32 to vector<16xf32>
      %scan3A_15 = arith.constant 0 : i32
      %scan3A_16 = arith.constant 16 : i32
      %scan3A_17 = arith.addi %scan3A_15, %scan3A_16 : i32
      %scan3A_18 = arith.constant 1 : i32
      %scan3A_19 = scf.for %scan3A_44 = %scan3A_15 to %scan3A_17 step %scan3A_18 iter_args(%scan3A_45 = %broadcast_in_dim3A_14) -> (vector<16xf32>)  : i32 {
        %get3A = arith.index_cast %scan3A_44 : i32 to index
        %get3A_46 = arith.constant 0 : index
        %get3A_47 = tpu.vector_load %arg5[%get3A, %get3A_46] {strides = array<i32>} : memref<16x64xf32, #tpu.memory_space<vmem>>, vector<1x16xf32>,
        %get3A_48 = vector.shape_cast %get3A_47 : vector<1x16xf32> to vector<16xf32>
        %get3A_49 = arith.index_cast %scan3A_44 : i32 to index
        %get3A_50 = arith.constant 16 : index
        %get3A_51 = tpu.vector_load %arg5[%get3A_49, %get3A_50] {strides = array<i32>} : memref<16x64xf32, #tpu.memory_space<vmem>>, vector<1x16xf32>,
        %get3A_52 = vector.shape_cast %get3A_51 : vector<1x16xf32> to vector<16xf32>
        %max3A = arith.maximumf %get3A_48, %get3A_52 : vector<16xf32>
        %get3A_53 = arith.index_cast %scan3A_44 : i32 to index
        %get3A_54 = arith.constant 32 : index
        %get3A_55 = tpu.vector_load %arg5[%get3A_53, %get3A_54] {strides = array<i32>} : memref<16x64xf32, #tpu.memory_space<vmem>>, vector<1x16xf32>,
        %get3A_56 = vector.shape_cast %get3A_55 : vector<1x16xf32> to vector<16xf32>
        %max3A_57 = arith.maximumf %max3A, %get3A_56 : vector<16xf32>
        %get3A_58 = arith.index_cast %scan3A_44 : i32 to index
        %get3A_59 = arith.constant 48 : index
        %get3A_60 = tpu.vector_load %arg5[%get3A_58, %get3A_59] {strides = array<i32>} : memref<16x64xf32, #tpu.memory_space<vmem>>, vector<1x16xf32>,
        %get3A_61 = vector.shape_cast %get3A_60 : vector<1x16xf32> to vector<16xf32>
        %max3A_62 = arith.maximumf %max3A_57, %get3A_61 : vector<16xf32>
        %swap3A_63 = arith.constant 0 : index
        %swap3A_64 = tpu.vector_load %arg6[%swap3A_63] {strides = array<i32>} : memref<32xf32, #tpu.memory_space<vmem>>, vector<16xf32>,
        %swap3A_65 = vector.shape_cast %swap3A_64 : vector<16xf32> to vector<16xf32>
        %swap3A_66 = vector.shape_cast %max3A_62 : vector<16xf32> to vector<16xf32>
        tpu.vector_store %arg6[%swap3A_63], %swap3A_66 {strides = array<i32>} : memref<32xf32, #tpu.memory_space<vmem>>, vector<16xf32>,
        %swap3A_67 = arith.constant 16 : index
        %swap3A_68 = tpu.vector_load %arg6[%swap3A_67] {strides = array<i32>} : memref<32xf32, #tpu.memory_space<vmem>>, vector<16xf32>,
        %swap3A_69 = vector.shape_cast %swap3A_68 : vector<16xf32> to vector<16xf32>
        %swap3A_70 = vector.shape_cast %max3A_62 : vector<16xf32> to vector<16xf32>
        tpu.vector_store %arg6[%swap3A_67], %swap3A_70 {strides = array<i32>} : memref<32xf32, #tpu.memory_space<vmem>>, vector<16xf32>,
        %get3A_71 = arith.constant 8 : index
        %get3A_72 = tpu.vector_load %arg6[%get3A_71] {strides = array<i32>} : memref<32xf32, #tpu.memory_space<vmem>>, vector<16xf32>,
        %get3A_73 = vector.shape_cast %get3A_72 : vector<16xf32> to vector<16xf32>
        %max3A_74 = arith.maximumf %max3A_62, %get3A_73 : vector<16xf32>
        %swap3A_75 = arith.constant 0 : index
        %swap3A_76 = tpu.vector_load %arg6[%swap3A_75] {strides = array<i32>} : memref<32xf32, #tpu.memory_space<vmem>>, vector<16xf32>,
        %swap3A_77 = vector.shape_cast %swap3A_76 : vector<16xf32> to vector<16xf32>
        %swap3A_78 = vector.shape_cast %max3A_74 : vector<16xf32> to vector<16xf32>
        tpu.vector_store %arg6[%swap3A_75], %swap3A_78 {strides = array<i32>} : memref<32xf32, #tpu.memory_space<vmem>>, vector<16xf32>,
        %swap3A_79 = arith.constant 16 : index
        %swap3A_80 = tpu.vector_load %arg6[%swap3A_79] {strides = array<i32>} : memref<32xf32, #tpu.memory_space<vmem>>, vector<16xf32>,
        %swap3A_81 = vector.shape_cast %swap3A_80 : vector<16xf32> to vector<16xf32>
        %swap3A_82 = vector.shape_cast %max3A_74 : vector<16xf32> to vector<16xf32>
        tpu.vector_store %arg6[%swap3A_79], %swap3A_82 {strides = array<i32>} : memref<32xf32, #tpu.memory_space<vmem>>, vector<16xf32>,
        %get3A_83 = arith.constant 4 : index
        %get3A_84 = tpu.vector_load %arg6[%get3A_83] {strides = array<i32>} : memref<32xf32, #tpu.memory_space<vmem>>, vector<16xf32>,
        %get3A_85 = vector.shape_cast %get3A_84 : vector<16xf32> to vector<16xf32>
        %max3A_86 = arith.maximumf %max3A_74, %get3A_85 : vector<16xf32>
        %swap3A_87 = arith.constant 0 : index
        %swap3A_88 = tpu.vector_load %arg6[%swap3A_87] {strides = array<i32>} : memref<32xf32, #tpu.memory_space<vmem>>, vector<16xf32>,
        %swap3A_89 = vector.shape_cast %swap3A_88 : vector<16xf32> to vector<16xf32>
        %swap3A_90 = vector.shape_cast %max3A_86 : vector<16xf32> to vector<16xf32>
        tpu.vector_store %arg6[%swap3A_87], %swap3A_90 {strides = array<i32>} : memref<32xf32, #tpu.memory_space<vmem>>, vector<16xf32>,
        %swap3A_91 = arith.constant 16 : index
        %swap3A_92 = tpu.vector_load %arg6[%swap3A_91] {strides = array<i32>} : memref<32xf32, #tpu.memory_space<vmem>>, vector<16xf32>,
        %swap3A_93 = vector.shape_cast %swap3A_92 : vector<16xf32> to vector<16xf32>
        %swap3A_94 = vector.shape_cast %max3A_86 : vector<16xf32> to vector<16xf32>
        tpu.vector_store %arg6[%swap3A_91], %swap3A_94 {strides = array<i32>} : memref<32xf32, #tpu.memory_space<vmem>>, vector<16xf32>,
        %get3A_95 = arith.constant 2 : index
        %get3A_96 = tpu.vector_load %arg6[%get3A_95] {strides = array<i32>} : memref<32xf32, #tpu.memory_space<vmem>>, vector<16xf32>,
        %get3A_97 = vector.shape_cast %get3A_96 : vector<16xf32> to vector<16xf32>
        %max3A_98 = arith.maximumf %max3A_86, %get3A_97 : vector<16xf32>
        %swap3A_99 = arith.constant 0 : index
        %swap3A_100 = tpu.vector_load %arg6[%swap3A_99] {strides = array<i32>} : memref<32xf32, #tpu.memory_space<vmem>>, vector<16xf32>,
        %swap3A_101 = vector.shape_cast %swap3A_100 : vector<16xf32> to vector<16xf32>
        %swap3A_102 = vector.shape_cast %max3A_98 : vector<16xf32> to vector<16xf32>
        tpu.vector_store %arg6[%swap3A_99], %swap3A_102 {strides = array<i32>} : memref<32xf32, #tpu.memory_space<vmem>>, vector<16xf32>,
        %swap3A_103 = arith.constant 16 : index
        %swap3A_104 = tpu.vector_load %arg6[%swap3A_103] {strides = array<i32>} : memref<32xf32, #tpu.memory_space<vmem>>, vector<16xf32>,
        %swap3A_105 = vector.shape_cast %swap3A_104 : vector<16xf32> to vector<16xf32>
        %swap3A_106 = vector.shape_cast %max3A_98 : vector<16xf32> to vector<16xf32>
        tpu.vector_store %arg6[%swap3A_103], %swap3A_106 {strides = array<i32>} : memref<32xf32, #tpu.memory_space<vmem>>, vector<16xf32>,
        %get3A_107 = arith.constant 1 : index
        %get3A_108 = tpu.vector_load %arg6[%get3A_107] {strides = array<i32>} : memref<32xf32, #tpu.memory_space<vmem>>, vector<16xf32>,
        %get3A_109 = vector.shape_cast %get3A_108 : vector<16xf32> to vector<16xf32>
        %max3A_110 = arith.maximumf %max3A_98, %get3A_109 : vector<16xf32>
        %eq3A = vector.broadcast %scan3A_44 : i32 to vector<16xi32>
        %eq3A_111 = arith.cmpi eq, %iota3A, %eq3A : vector<16xi32>
        %select_n3A = arith.select %eq3A_111, %max3A_110, %scan3A_45 : vector<16xi1>, vector<16xf32>
        scf.yield %select_n3A : vector<16xf32>
      }
      %scan3A_20 = arith.constant 16 : i32
      %convert_element_type3A = arith.fptosi %scan3A_19 : vector<16xf32> to vector<16xi32>
      %convert_element_type3A_21 = arith.sitofp %convert_element_type3A : vector<16xi32> to vector<16xf32>
      %sub3A = arith.subf %scan3A_19, %convert_element_type3A_21 : vector<16xf32>
      %mul3A_22 = arith.constant 1.024000e+03 : f32
      %mul3A_23 = vector.broadcast %mul3A_22 : f32 to vector<16xf32>
      %mul3A_24 = arith.mulf %sub3A, %mul3A_23 : vector<16xf32>
      %convert_element_type3A_25 = arith.fptosi %mul3A_24 : vector<16xf32> to vector<16xi32>
      %sub3A_26 = arith.constant 1023 : i32
      %sub3A_27 = vector.broadcast %sub3A_26 : i32 to vector<16xi32>
      %sub3A_28 = arith.subi %sub3A_27, %convert_element_type3A_25 : vector<16xi32>
      %mul3A_29 = arith.constant 16 : i32
      %mul3A_30 = arith.muli %scan3A_9, %mul3A_29 : i32
      %swap3A = arith.index_cast %mul3A_30 : i32 to index
      %swap3A_31 = tpu.vector_load %arg7[%swap3A] {strides = array<i32>} : memref<64xi32, #tpu.memory_space<vmem>>, vector<16xi32>,
      %swap3A_32 = vector.shape_cast %swap3A_31 : vector<16xi32> to vector<16xi32>
      %swap3A_33 = vector.shape_cast %sub3A_28 : vector<16xi32> to vector<16xi32>
      tpu.vector_store %arg7[%swap3A], %swap3A_33 {strides = array<i32>} : memref<64xi32, #tpu.memory_space<vmem>>, vector<16xi32>,
      %mul3A_34 = arith.constant 1.562500e-02 : f32
      %mul3A_35 = vector.broadcast %mul3A_34 : f32 to vector<16xf32>
      %mul3A_36 = arith.mulf %convert_element_type3A_21, %mul3A_35 : vector<16xf32>
      %mul3A_37 = arith.constant 16 : i32
      %mul3A_38 = arith.muli %scan3A_9, %mul3A_37 : i32
      %swap3A_39 = arith.index_cast %mul3A_38 : i32 to index
      %swap3A_40 = tpu.vector_load %arg8[%swap3A_39] {strides = array<i32>} : memref<64xf32, #tpu.memory_space<vmem>>, vector<16xf32>,
      %swap3A_41 = vector.shape_cast %swap3A_40 : vector<16xf32> to vector<16xf32>
      %swap3A_42 = vector.shape_cast %mul3A_36 : vector<16xf32> to vector<16xf32>
      tpu.vector_store %arg8[%swap3A_39], %swap3A_42 {strides = array<i32>} : memref<64xf32, #tpu.memory_space<vmem>>, vector<16xf32>,
      %scan3A_43 = arith.constant 0 : i32
      scf.yield %scan3A_43 : i32
    }
    %scan3A_8 = arith.constant 4 : i32
    "tpu.region"() ({
      %run_scoped3A = tpu.sem_alloc : memref<!tpu.dma_semaphore, #tpu.memory_space<semaphore_mem>>
      %dma_start3A = tpu.memref_slice %arg3[%mul3A_2] : memref<2048xi32, #tpu.memory_space<hbm>> -> memref<64xi32, #tpu.memory_space<hbm>>
      %dma_start3A_9 = tpu.memref_slice %arg3[%mul3A_2] : memref<2048xi32, #tpu.memory_space<hbm>> -> memref<64xi32, #tpu.memory_space<hbm>>
      tpu.enqueue_dma source(%arg7 : memref<64xi32, #tpu.memory_space<vmem>>) target(%dma_start3A_9 : memref<64xi32, #tpu.memory_space<hbm>>) target_semaphore(%run_scoped3A : memref<!tpu.dma_semaphore, #tpu.memory_space<semaphore_mem>>)
      %dma_wait3A = tpu.memref_slice %arg3[%mul3A_2] : memref<2048xi32, #tpu.memory_space<hbm>> -> memref<64xi32, #tpu.memory_space<hbm>>
      %dma_wait3A_10 = tpu.memref_slice %arg3[%mul3A_2] : memref<2048xi32, #tpu.memory_space<hbm>> -> memref<64xi32, #tpu.memory_space<hbm>>
      tpu.wait_dma2 semaphore(%run_scoped3A : memref<!tpu.dma_semaphore, #tpu.memory_space<semaphore_mem>>) src(%arg7 : memref<64xi32, #tpu.memory_space<vmem>>) dst(%dma_wait3A_10 : memref<64xi32, #tpu.memory_space<hbm>>)
      tpu.yield
    }) : () -> ()
    "tpu.region"() ({
      %run_scoped3A = tpu.sem_alloc : memref<!tpu.dma_semaphore, #tpu.memory_space<semaphore_mem>>
      %dma_start3A = tpu.memref_slice %arg4[%mul3A_2] : memref<2048xf32, #tpu.memory_space<hbm>> -> memref<64xf32, #tpu.memory_space<hbm>>
      %dma_start3A_9 = tpu.memref_slice %arg4[%mul3A_2] : memref<2048xf32, #tpu.memory_space<hbm>> -> memref<64xf32, #tpu.memory_space<hbm>>
      tpu.enqueue_dma source(%arg8 : memref<64xf32, #tpu.memory_space<vmem>>) target(%dma_start3A_9 : memref<64xf32, #tpu.memory_space<hbm>>) target_semaphore(%run_scoped3A : memref<!tpu.dma_semaphore, #tpu.memory_space<semaphore_mem>>)
      %dma_wait3A = tpu.memref_slice %arg4[%mul3A_2] : memref<2048xf32, #tpu.memory_space<hbm>> -> memref<64xf32, #tpu.memory_space<hbm>>
      %dma_wait3A_10 = tpu.memref_slice %arg4[%mul3A_2] : memref<2048xf32, #tpu.memory_space<hbm>> -> memref<64xf32, #tpu.memory_space<hbm>>
      tpu.wait_dma2 semaphore(%run_scoped3A : memref<!tpu.dma_semaphore, #tpu.memory_space<semaphore_mem>>) src(%arg8 : memref<64xf32, #tpu.memory_space<vmem>>) dst(%dma_wait3A_10 : memref<64xf32, #tpu.memory_space<hbm>>)
      tpu.yield
    }) : () -> ()
    return
  }
}

#map = affine_map<(d0, d1) -> (0, 0)>
#map1 = affine_map<(d0, d1) -> (0)>
module attributes {stable_mosaic.version = 14 : i64} {
  func.func @_call(%arg0: i32, %arg1: i32, %arg2: memref<2048x64xf32, #tpu.memory_space<hbm>>, %arg3: memref<2048xi32, #tpu.memory_space<hbm>>, %arg4: memref<2048xf32, #tpu.memory_space<hbm>>, %arg5: memref<16x64xf32, #tpu.memory_space<vmem>>, %arg6: memref<32xf32, #tpu.memory_space<vmem>>, %arg7: memref<64xi32, #tpu.memory_space<vmem>>, %arg8: memref<64xf32, #tpu.memory_space<vmem>>) attributes {dimension_semantics = [#tpu.dimension_semantics<core_parallel>, #tpu.dimension_semantics<subcore_parallel>], iteration_bounds = array<i64: 2, 16>, scalar_prefetch = 0 : i64, scratch_operands = 4 : i64, tpu.core_type = #tpu.core_type<sc_vector_subcore>, window_params = [{transform_indices = #map}, {transform_indices = #map1}, {transform_indices = #map1}]} {
    %mul3A = arith.constant 2 : i32
    %mul3A_0 = arith.muli %arg1, %mul3A : i32
    %add3A = arith.addi %mul3A_0, %arg0 : i32
    %mul3A_1 = arith.constant 64 : i32
    %mul3A_2 = arith.muli %add3A, %mul3A_1 : i32
    %iota3A = tpu.iota {dimensions = array<i32: 0>} : vector<16xi32>
    %scan3A = arith.constant 0 : i32
    %scan3A_3 = arith.constant 0 : i32
    %scan3A_4 = arith.constant 4 : i32
    %scan3A_5 = arith.addi %scan3A_3, %scan3A_4 : i32
    %scan3A_6 = arith.constant 1 : i32
    %scan3A_7 = scf.for %scan3A_9 = %scan3A_3 to %scan3A_5 step %scan3A_6 iter_args(%scan3A_10 = %scan3A) -> (i32)  : i32 {
      %mul3A_11 = arith.constant 16 : i32
      %mul3A_12 = arith.muli %scan3A_9, %mul3A_11 : i32
      %add3A_13 = arith.addi %mul3A_2, %mul3A_12 : i32
      "tpu.region"() ({
        %run_scoped3A = tpu.sem_alloc : memref<!tpu.dma_semaphore, #tpu.memory_space<semaphore_mem>>
        %dma_start3A = arith.constant 0 : i32
        %dma_start3A_44 = tpu.memref_slice %arg2[%add3A_13, %dma_start3A] : memref<2048x64xf32, #tpu.memory_space<hbm>> -> memref<16x64xf32, #tpu.memory_space<hbm>>
        %dma_start3A_45 = arith.constant 0 : i32
        %dma_start3A_46 = tpu.memref_slice %arg2[%add3A_13, %dma_start3A_45] : memref<2048x64xf32, #tpu.memory_space<hbm>> -> memref<16x64xf32, #tpu.memory_space<hbm>>
        tpu.enqueue_dma source(%dma_start3A_46 : memref<16x64xf32, #tpu.memory_space<hbm>>) target(%arg5 : memref<16x64xf32, #tpu.memory_space<vmem>>) target_semaphore(%run_scoped3A : memref<!tpu.dma_semaphore, #tpu.memory_space<semaphore_mem>>)
        %dma_wait3A = arith.constant 0 : i32
        %dma_wait3A_47 = tpu.memref_slice %arg2[%add3A_13, %dma_wait3A] : memref<2048x64xf32, #tpu.memory_space<hbm>> -> memref<16x64xf32, #tpu.memory_space<hbm>>
        %dma_wait3A_48 = arith.constant 0 : i32
        %dma_wait3A_49 = tpu.memref_slice %arg2[%add3A_13, %dma_wait3A_48] : memref<2048x64xf32, #tpu.memory_space<hbm>> -> memref<16x64xf32, #tpu.memory_space<hbm>>
        tpu.wait_dma2 semaphore(%run_scoped3A : memref<!tpu.dma_semaphore, #tpu.memory_space<semaphore_mem>>) src(%dma_wait3A_49 : memref<16x64xf32, #tpu.memory_space<hbm>>) dst(%arg5 : memref<16x64xf32, #tpu.memory_space<vmem>>)
        tpu.yield
      }) : () -> ()
      %broadcast_in_dim3A = arith.constant -1.000000e+00 : f32
      %broadcast_in_dim3A_14 = vector.broadcast %broadcast_in_dim3A : f32 to vector<16xf32>
      %scan3A_15 = arith.constant 0 : i32
      %scan3A_16 = arith.constant 16 : i32
      %scan3A_17 = arith.addi %scan3A_15, %scan3A_16 : i32
      %scan3A_18 = arith.constant 1 : i32
      %scan3A_19 = scf.for %scan3A_44 = %scan3A_15 to %scan3A_17 step %scan3A_18 iter_args(%scan3A_45 = %broadcast_in_dim3A_14) -> (vector<16xf32>)  : i32 {
        %get3A = arith.index_cast %scan3A_44 : i32 to index
        %get3A_46 = arith.constant 0 : index
        %get3A_47 = tpu.vector_load %arg5[%get3A, %get3A_46] {strides = array<i32>} : memref<16x64xf32, #tpu.memory_space<vmem>>, vector<1x16xf32>,
        %get3A_48 = vector.shape_cast %get3A_47 : vector<1x16xf32> to vector<16xf32>
        %get3A_49 = arith.index_cast %scan3A_44 : i32 to index
        %get3A_50 = arith.constant 16 : index
        %get3A_51 = tpu.vector_load %arg5[%get3A_49, %get3A_50] {strides = array<i32>} : memref<16x64xf32, #tpu.memory_space<vmem>>, vector<1x16xf32>,
        %get3A_52 = vector.shape_cast %get3A_51 : vector<1x16xf32> to vector<16xf32>
        %max3A = arith.maximumf %get3A_48, %get3A_52 : vector<16xf32>
        %get3A_53 = arith.index_cast %scan3A_44 : i32 to index
        %get3A_54 = arith.constant 32 : index
        %get3A_55 = tpu.vector_load %arg5[%get3A_53, %get3A_54] {strides = array<i32>} : memref<16x64xf32, #tpu.memory_space<vmem>>, vector<1x16xf32>,
        %get3A_56 = vector.shape_cast %get3A_55 : vector<1x16xf32> to vector<16xf32>
        %max3A_57 = arith.maximumf %max3A, %get3A_56 : vector<16xf32>
        %get3A_58 = arith.index_cast %scan3A_44 : i32 to index
        %get3A_59 = arith.constant 48 : index
        %get3A_60 = tpu.vector_load %arg5[%get3A_58, %get3A_59] {strides = array<i32>} : memref<16x64xf32, #tpu.memory_space<vmem>>, vector<1x16xf32>,
        %get3A_61 = vector.shape_cast %get3A_60 : vector<1x16xf32> to vector<16xf32>
        %max3A_62 = arith.maximumf %max3A_57, %get3A_61 : vector<16xf32>
        %swap3A_63 = arith.constant 0 : index
        %swap3A_64 = tpu.vector_load %arg6[%swap3A_63] {strides = array<i32>} : memref<32xf32, #tpu.memory_space<vmem>>, vector<16xf32>,
        %swap3A_65 = vector.shape_cast %swap3A_64 : vector<16xf32> to vector<16xf32>
        %swap3A_66 = vector.shape_cast %max3A_62 : vector<16xf32> to vector<16xf32>
        tpu.vector_store %arg6[%swap3A_63], %swap3A_66 {strides = array<i32>} : memref<32xf32, #tpu.memory_space<vmem>>, vector<16xf32>,
        %swap3A_67 = arith.constant 16 : index
        %swap3A_68 = tpu.vector_load %arg6[%swap3A_67] {strides = array<i32>} : memref<32xf32, #tpu.memory_space<vmem>>, vector<16xf32>,
        %swap3A_69 = vector.shape_cast %swap3A_68 : vector<16xf32> to vector<16xf32>
        %swap3A_70 = vector.shape_cast %max3A_62 : vector<16xf32> to vector<16xf32>
        tpu.vector_store %arg6[%swap3A_67], %swap3A_70 {strides = array<i32>} : memref<32xf32, #tpu.memory_space<vmem>>, vector<16xf32>,
        %get3A_71 = arith.constant 8 : index
        %get3A_72 = tpu.vector_load %arg6[%get3A_71] {strides = array<i32>} : memref<32xf32, #tpu.memory_space<vmem>>, vector<16xf32>,
        %get3A_73 = vector.shape_cast %get3A_72 : vector<16xf32> to vector<16xf32>
        %max3A_74 = arith.maximumf %max3A_62, %get3A_73 : vector<16xf32>
        %swap3A_75 = arith.constant 0 : index
        %swap3A_76 = tpu.vector_load %arg6[%swap3A_75] {strides = array<i32>} : memref<32xf32, #tpu.memory_space<vmem>>, vector<16xf32>,
        %swap3A_77 = vector.shape_cast %swap3A_76 : vector<16xf32> to vector<16xf32>
        %swap3A_78 = vector.shape_cast %max3A_74 : vector<16xf32> to vector<16xf32>
        tpu.vector_store %arg6[%swap3A_75], %swap3A_78 {strides = array<i32>} : memref<32xf32, #tpu.memory_space<vmem>>, vector<16xf32>,
        %swap3A_79 = arith.constant 16 : index
        %swap3A_80 = tpu.vector_load %arg6[%swap3A_79] {strides = array<i32>} : memref<32xf32, #tpu.memory_space<vmem>>, vector<16xf32>,
        %swap3A_81 = vector.shape_cast %swap3A_80 : vector<16xf32> to vector<16xf32>
        %swap3A_82 = vector.shape_cast %max3A_74 : vector<16xf32> to vector<16xf32>
        tpu.vector_store %arg6[%swap3A_79], %swap3A_82 {strides = array<i32>} : memref<32xf32, #tpu.memory_space<vmem>>, vector<16xf32>,
        %get3A_83 = arith.constant 4 : index
        %get3A_84 = tpu.vector_load %arg6[%get3A_83] {strides = array<i32>} : memref<32xf32, #tpu.memory_space<vmem>>, vector<16xf32>,
        %get3A_85 = vector.shape_cast %get3A_84 : vector<16xf32> to vector<16xf32>
        %max3A_86 = arith.maximumf %max3A_74, %get3A_85 : vector<16xf32>
        %swap3A_87 = arith.constant 0 : index
        %swap3A_88 = tpu.vector_load %arg6[%swap3A_87] {strides = array<i32>} : memref<32xf32, #tpu.memory_space<vmem>>, vector<16xf32>,
        %swap3A_89 = vector.shape_cast %swap3A_88 : vector<16xf32> to vector<16xf32>
        %swap3A_90 = vector.shape_cast %max3A_86 : vector<16xf32> to vector<16xf32>
        tpu.vector_store %arg6[%swap3A_87], %swap3A_90 {strides = array<i32>} : memref<32xf32, #tpu.memory_space<vmem>>, vector<16xf32>,
        %swap3A_91 = arith.constant 16 : index
        %swap3A_92 = tpu.vector_load %arg6[%swap3A_91] {strides = array<i32>} : memref<32xf32, #tpu.memory_space<vmem>>, vector<16xf32>,
        %swap3A_93 = vector.shape_cast %swap3A_92 : vector<16xf32> to vector<16xf32>
        %swap3A_94 = vector.shape_cast %max3A_86 : vector<16xf32> to vector<16xf32>
        tpu.vector_store %arg6[%swap3A_91], %swap3A_94 {strides = array<i32>} : memref<32xf32, #tpu.memory_space<vmem>>, vector<16xf32>,
        %get3A_95 = arith.constant 2 : index
        %get3A_96 = tpu.vector_load %arg6[%get3A_95] {strides = array<i32>} : memref<32xf32, #tpu.memory_space<vmem>>, vector<16xf32>,
        %get3A_97 = vector.shape_cast %get3A_96 : vector<16xf32> to vector<16xf32>
        %max3A_98 = arith.maximumf %max3A_86, %get3A_97 : vector<16xf32>
        %swap3A_99 = arith.constant 0 : index
        %swap3A_100 = tpu.vector_load %arg6[%swap3A_99] {strides = array<i32>} : memref<32xf32, #tpu.memory_space<vmem>>, vector<16xf32>,
        %swap3A_101 = vector.shape_cast %swap3A_100 : vector<16xf32> to vector<16xf32>
        %swap3A_102 = vector.shape_cast %max3A_98 : vector<16xf32> to vector<16xf32>
        tpu.vector_store %arg6[%swap3A_99], %swap3A_102 {strides = array<i32>} : memref<32xf32, #tpu.memory_space<vmem>>, vector<16xf32>,
        %swap3A_103 = arith.constant 16 : index
        %swap3A_104 = tpu.vector_load %arg6[%swap3A_103] {strides = array<i32>} : memref<32xf32, #tpu.memory_space<vmem>>, vector<16xf32>,
        %swap3A_105 = vector.shape_cast %swap3A_104 : vector<16xf32> to vector<16xf32>
        %swap3A_106 = vector.shape_cast %max3A_98 : vector<16xf32> to vector<16xf32>
        tpu.vector_store %arg6[%swap3A_103], %swap3A_106 {strides = array<i32>} : memref<32xf32, #tpu.memory_space<vmem>>, vector<16xf32>,
        %get3A_107 = arith.constant 1 : index
        %get3A_108 = tpu.vector_load %arg6[%get3A_107] {strides = array<i32>} : memref<32xf32, #tpu.memory_space<vmem>>, vector<16xf32>,
        %get3A_109 = vector.shape_cast %get3A_108 : vector<16xf32> to vector<16xf32>
        %max3A_110 = arith.maximumf %max3A_98, %get3A_109 : vector<16xf32>
        %eq3A = vector.broadcast %scan3A_44 : i32 to vector<16xi32>
        %eq3A_111 = arith.cmpi eq, %iota3A, %eq3A : vector<16xi32>
        %select_n3A = arith.select %eq3A_111, %max3A_110, %scan3A_45 : vector<16xi1>, vector<16xf32>
        scf.yield %select_n3A : vector<16xf32>
      }
      %scan3A_20 = arith.constant 16 : i32
      %convert_element_type3A = arith.fptosi %scan3A_19 : vector<16xf32> to vector<16xi32>
      %convert_element_type3A_21 = arith.sitofp %convert_element_type3A : vector<16xi32> to vector<16xf32>
      %sub3A = arith.subf %scan3A_19, %convert_element_type3A_21 : vector<16xf32>
      %mul3A_22 = arith.constant 1.024000e+03 : f32
      %mul3A_23 = vector.broadcast %mul3A_22 : f32 to vector<16xf32>
      %mul3A_24 = arith.mulf %sub3A, %mul3A_23 : vector<16xf32>
      %convert_element_type3A_25 = arith.fptosi %mul3A_24 : vector<16xf32> to vector<16xi32>
      %sub3A_26 = arith.constant 1023 : i32
      %sub3A_27 = vector.broadcast %sub3A_26 : i32 to vector<16xi32>
      %sub3A_28 = arith.subi %sub3A_27, %convert_element_type3A_25 : vector<16xi32>
      %mul3A_29 = arith.constant 16 : i32
      %mul3A_30 = arith.muli %scan3A_9, %mul3A_29 : i32
      %swap3A = arith.index_cast %mul3A_30 : i32 to index
      %swap3A_31 = tpu.vector_load %arg7[%swap3A] {strides = array<i32>} : memref<64xi32, #tpu.memory_space<vmem>>, vector<16xi32>,
      %swap3A_32 = vector.shape_cast %swap3A_31 : vector<16xi32> to vector<16xi32>
      %swap3A_33 = vector.shape_cast %sub3A_28 : vector<16xi32> to vector<16xi32>
      tpu.vector_store %arg7[%swap3A], %swap3A_33 {strides = array<i32>} : memref<64xi32, #tpu.memory_space<vmem>>, vector<16xi32>,
      %mul3A_34 = arith.constant 1.562500e-02 : f32
      %mul3A_35 = vector.broadcast %mul3A_34 : f32 to vector<16xf32>
      %mul3A_36 = arith.mulf %convert_element_type3A_21, %mul3A_35 : vector<16xf32>
      %mul3A_37 = arith.constant 16 : i32
      %mul3A_38 = arith.muli %scan3A_9, %mul3A_37 : i32
      %swap3A_39 = arith.index_cast %mul3A_38 : i32 to index
      %swap3A_40 = tpu.vector_load %arg8[%swap3A_39] {strides = array<i32>} : memref<64xf32, #tpu.memory_space<vmem>>, vector<16xf32>,
      %swap3A_41 = vector.shape_cast %swap3A_40 : vector<16xf32> to vector<16xf32>
      %swap3A_42 = vector.shape_cast %mul3A_36 : vector<16xf32> to vector<16xf32>
      tpu.vector_store %arg8[%swap3A_39], %swap3A_42 {strides = array<i32>} : memref<64xf32, #tpu.memory_space<vmem>>, vector<16xf32>,
      %scan3A_43 = arith.constant 0 : i32
      scf.yield %scan3A_43 : i32
    }
    %scan3A_8 = arith.constant 4 : i32
    "tpu.region"() ({
      %run_scoped3A = tpu.sem_alloc : memref<!tpu.dma_semaphore, #tpu.memory_space<semaphore_mem>>
      %dma_start3A = tpu.memref_slice %arg3[%mul3A_2] : memref<2048xi32, #tpu.memory_space<hbm>> -> memref<64xi32, #tpu.memory_space<hbm>>
      %dma_start3A_9 = tpu.memref_slice %arg3[%mul3A_2] : memref<2048xi32, #tpu.memory_space<hbm>> -> memref<64xi32, #tpu.memory_space<hbm>>
      tpu.enqueue_dma source(%arg7 : memref<64xi32, #tpu.memory_space<vmem>>) target(%dma_start3A_9 : memref<64xi32, #tpu.memory_space<hbm>>) target_semaphore(%run_scoped3A : memref<!tpu.dma_semaphore, #tpu.memory_space<semaphore_mem>>)
      %dma_wait3A = tpu.memref_slice %arg3[%mul3A_2] : memref<2048xi32, #tpu.memory_space<hbm>> -> memref<64xi32, #tpu.memory_space<hbm>>
      %dma_wait3A_10 = tpu.memref_slice %arg3[%mul3A_2] : memref<2048xi32, #tpu.memory_space<hbm>> -> memref<64xi32, #tpu.memory_space<hbm>>
      tpu.wait_dma2 semaphore(%run_scoped3A : memref<!tpu.dma_semaphore, #tpu.memory_space<semaphore_mem>>) src(%arg7 : memref<64xi32, #tpu.memory_space<vmem>>) dst(%dma_wait3A_10 : memref<64xi32, #tpu.memory_space<hbm>>)
      tpu.yield
    }) : () -> ()
    "tpu.region"() ({
      %run_scoped3A = tpu.sem_alloc : memref<!tpu.dma_semaphore, #tpu.memory_space<semaphore_mem>>
      %dma_start3A = tpu.memref_slice %arg4[%mul3A_2] : memref<2048xf32, #tpu.memory_space<hbm>> -> memref<64xf32, #tpu.memory_space<hbm>>
      %dma_start3A_9 = tpu.memref_slice %arg4[%mul3A_2] : memref<2048xf32, #tpu.memory_space<hbm>> -> memref<64xf32, #tpu.memory_space<hbm>>
      tpu.enqueue_dma source(%arg8 : memref<64xf32, #tpu.memory_space<vmem>>) target(%dma_start3A_9 : memref<64xf32, #tpu.memory_space<hbm>>) target_semaphore(%run_scoped3A : memref<!tpu.dma_semaphore, #tpu.memory_space<semaphore_mem>>)
      %dma_wait3A = tpu.memref_slice %arg4[%mul3A_2] : memref<2048xf32, #tpu.memory_space<hbm>> -> memref<64xf32, #tpu.memory_space<hbm>>
      %dma_wait3A_10 = tpu.memref_slice %arg4[%mul3A_2] : memref<2048xf32, #tpu.memory_space<hbm>> -> memref<64xf32, #tpu.memory_space<hbm>>
      tpu.wait_dma2 semaphore(%run_scoped3A : memref<!tpu.dma_semaphore, #tpu.memory_space<semaphore_mem>>) src(%arg8 : memref<64xf32, #tpu.memory_space<vmem>>) dst(%dma_wait3A_10 : memref<64xf32, #tpu.memory_space<hbm>>)
      tpu.yield
    }) : () -> ()
    return
  }
}

module attributes {stable_mosaic.version = 14 : i64} {
  func.func @_match_kernel(%arg0: i32, %arg1: memref<7xf32, #tpu.memory_space<smem>>, %arg2: memref<512x64xf32, #tpu.memory_space<vmem>>, %arg3: memref<1024x64xf32, #tpu.memory_space<vmem>>, %arg4: memref<512x64xf32, #tpu.memory_space<vmem>>, %arg5: memref<1024x512xbf16, #tpu.memory_space<vmem>>, %arg6: memref<1024x1xf32, #tpu.memory_space<vmem>>) attributes {dimension_semantics = [#tpu.dimension_semantics<arbitrary>], iteration_bounds = array<i64: 1>, scalar_prefetch = 0 : i64, scratch_operands = 2 : i64, tpu.core_type = #tpu.core_type<tc>, window_params = [{transform_indices = @transform_0, window_bounds = array<i64: 7>}, {transform_indices = @transform_1, window_bounds = array<i64: 512, 64>}, {pipeline_mode = #tpu.pipeline_mode<synchronous>, transform_indices = @transform_2, window_bounds = array<i64: 1024, 64>}, {transform_indices = @transform_3, window_bounds = array<i64: 512, 64>}]} {
    %eq3A = arith.constant 0 : i32
    %eq3A_0 = arith.cmpi eq, %arg0, %eq3A : i32
    %convert_element_type3A = arith.extui %eq3A_0 : i1 to i32
    %cond3A = arith.constant 0 : i32
    %cond3A_1 = arith.cmpi ne, %convert_element_type3A, %cond3A : i32
    scf.if %cond3A_1 {
      %get3A_71 = arith.constant 0 : index
      %get3A_72 = arith.constant 0 : index
      %get3A_73 = vector.load %arg3[%get3A_71, %get3A_72] : memref<1024x64xf32, #tpu.memory_space<vmem>>, vector<1024x64xf32>
      %get3A_74 = arith.constant 0 : index
      %get3A_75 = memref.load %arg1[%get3A_74] : memref<7xf32, #tpu.memory_space<smem>>
      %gt3A_76 = vector.broadcast %get3A_75 : f32 to vector<1024x64xf32>
      %gt3A_77 = arith.cmpf ogt, %get3A_73, %gt3A_76 : vector<1024x64xf32>
      %convert_element_type3A_78 = arith.extui %gt3A_77 : vector<1024x64xi1> to vector<1024x64xi32>
      %convert_element_type3A_79 = arith.sitofp %convert_element_type3A_78 : vector<1024x64xi32> to vector<1024x64xf32>
      %convert_element_type3A_80 = arith.truncf %convert_element_type3A_79 : vector<1024x64xf32> to vector<1024x64xbf16>
      %get3A_81 = arith.constant 1 : index
      %get3A_82 = memref.load %arg1[%get3A_81] : memref<7xf32, #tpu.memory_space<smem>>
      %gt3A_83 = vector.broadcast %get3A_82 : f32 to vector<1024x64xf32>
      %gt3A_84 = arith.cmpf ogt, %get3A_73, %gt3A_83 : vector<1024x64xf32>
      %convert_element_type3A_85 = arith.extui %gt3A_84 : vector<1024x64xi1> to vector<1024x64xi32>
      %convert_element_type3A_86 = arith.sitofp %convert_element_type3A_85 : vector<1024x64xi32> to vector<1024x64xf32>
      %convert_element_type3A_87 = arith.truncf %convert_element_type3A_86 : vector<1024x64xf32> to vector<1024x64xbf16>
      %get3A_88 = arith.constant 2 : index
      %get3A_89 = memref.load %arg1[%get3A_88] : memref<7xf32, #tpu.memory_space<smem>>
      %gt3A_90 = vector.broadcast %get3A_89 : f32 to vector<1024x64xf32>
      %gt3A_91 = arith.cmpf ogt, %get3A_73, %gt3A_90 : vector<1024x64xf32>
      %convert_element_type3A_92 = arith.extui %gt3A_91 : vector<1024x64xi1> to vector<1024x64xi32>
      %convert_element_type3A_93 = arith.sitofp %convert_element_type3A_92 : vector<1024x64xi32> to vector<1024x64xf32>
      %convert_element_type3A_94 = arith.truncf %convert_element_type3A_93 : vector<1024x64xf32> to vector<1024x64xbf16>
      %get3A_95 = arith.constant 3 : index
      %get3A_96 = memref.load %arg1[%get3A_95] : memref<7xf32, #tpu.memory_space<smem>>
      %gt3A_97 = vector.broadcast %get3A_96 : f32 to vector<1024x64xf32>
      %gt3A_98 = arith.cmpf ogt, %get3A_73, %gt3A_97 : vector<1024x64xf32>
      %convert_element_type3A_99 = arith.extui %gt3A_98 : vector<1024x64xi1> to vector<1024x64xi32>
      %convert_element_type3A_100 = arith.sitofp %convert_element_type3A_99 : vector<1024x64xi32> to vector<1024x64xf32>
      %convert_element_type3A_101 = arith.truncf %convert_element_type3A_100 : vector<1024x64xf32> to vector<1024x64xbf16>
      %get3A_102 = arith.constant 4 : index
      %get3A_103 = memref.load %arg1[%get3A_102] : memref<7xf32, #tpu.memory_space<smem>>
      %gt3A_104 = vector.broadcast %get3A_103 : f32 to vector<1024x64xf32>
      %gt3A_105 = arith.cmpf ogt, %get3A_73, %gt3A_104 : vector<1024x64xf32>
      %convert_element_type3A_106 = arith.extui %gt3A_105 : vector<1024x64xi1> to vector<1024x64xi32>
      %convert_element_type3A_107 = arith.sitofp %convert_element_type3A_106 : vector<1024x64xi32> to vector<1024x64xf32>
      %convert_element_type3A_108 = arith.truncf %convert_element_type3A_107 : vector<1024x64xf32> to vector<1024x64xbf16>
      %get3A_109 = arith.constant 5 : index
      %get3A_110 = memref.load %arg1[%get3A_109] : memref<7xf32, #tpu.memory_space<smem>>
      %gt3A_111 = vector.broadcast %get3A_110 : f32 to vector<1024x64xf32>
      %gt3A_112 = arith.cmpf ogt, %get3A_73, %gt3A_111 : vector<1024x64xf32>
      %convert_element_type3A_113 = arith.extui %gt3A_112 : vector<1024x64xi1> to vector<1024x64xi32>
      %convert_element_type3A_114 = arith.sitofp %convert_element_type3A_113 : vector<1024x64xi32> to vector<1024x64xf32>
      %convert_element_type3A_115 = arith.truncf %convert_element_type3A_114 : vector<1024x64xf32> to vector<1024x64xbf16>
      %get3A_116 = arith.constant 6 : index
      %get3A_117 = memref.load %arg1[%get3A_116] : memref<7xf32, #tpu.memory_space<smem>>
      %gt3A_118 = vector.broadcast %get3A_117 : f32 to vector<1024x64xf32>
      %gt3A_119 = arith.cmpf ogt, %get3A_73, %gt3A_118 : vector<1024x64xf32>
      %convert_element_type3A_120 = arith.extui %gt3A_119 : vector<1024x64xi1> to vector<1024x64xi32>
      %convert_element_type3A_121 = arith.sitofp %convert_element_type3A_120 : vector<1024x64xi32> to vector<1024x64xf32>
      %convert_element_type3A_122 = arith.truncf %convert_element_type3A_121 : vector<1024x64xf32> to vector<1024x64xbf16>
      %sub3A_123 = arith.constant 1.000000e+00 : bf16
      %sub3A_124 = vector.broadcast %sub3A_123 : bf16 to vector<1024x64xbf16>
      %sub3A_125 = arith.subf %sub3A_124, %convert_element_type3A_80 : vector<1024x64xbf16>
      %sub3A_126 = arith.subf %convert_element_type3A_80, %convert_element_type3A_87 : vector<1024x64xbf16>
      %sub3A_127 = arith.subf %convert_element_type3A_87, %convert_element_type3A_94 : vector<1024x64xbf16>
      %sub3A_128 = arith.subf %convert_element_type3A_94, %convert_element_type3A_101 : vector<1024x64xbf16>
      %sub3A_129 = arith.subf %convert_element_type3A_101, %convert_element_type3A_108 : vector<1024x64xbf16>
      %sub3A_130 = arith.subf %convert_element_type3A_108, %convert_element_type3A_115 : vector<1024x64xbf16>
      %sub3A_131 = arith.subf %convert_element_type3A_115, %convert_element_type3A_122 : vector<1024x64xbf16>
      %concatenate3A_132 = tpu.concatenate %sub3A_125, %sub3A_126, %sub3A_127, %sub3A_128, %sub3A_129, %sub3A_130, %sub3A_131, %convert_element_type3A_122 in 1 : vector<1024x64xbf16>, vector<1024x64xbf16>, vector<1024x64xbf16>, vector<1024x64xbf16>, vector<1024x64xbf16>, vector<1024x64xbf16>, vector<1024x64xbf16>, vector<1024x64xbf16> -> vector<1024x512xbf16>
      %swap3A_133 = arith.constant 0 : index
      %swap3A_134 = arith.constant 0 : index
      %swap3A_135 = vector.load %arg5[%swap3A_133, %swap3A_134] : memref<1024x512xbf16, #tpu.memory_space<vmem>>, vector<1024x512xbf16>
      tpu.vector_store %arg5[%swap3A_133, %swap3A_134], %concatenate3A_132 {strides = array<i32>} : memref<1024x512xbf16, #tpu.memory_space<vmem>>, vector<1024x512xbf16>,
      %iota3A = tpu.iota {dimensions = array<i32: 0>} : vector<1024x1xi32>
      %sub3A_136 = arith.constant 1023 : i32
      %sub3A_137 = vector.broadcast %sub3A_136 : i32 to vector<1024x1xi32>
      %sub3A_138 = arith.subi %sub3A_137, %iota3A : vector<1024x1xi32>
      %convert_element_type3A_139 = arith.sitofp %sub3A_138 : vector<1024x1xi32> to vector<1024x1xf32>
      %mul3A = arith.constant 9.765625E-4 : f32
      %mul3A_140 = vector.broadcast %mul3A : f32 to vector<1024x1xf32>
      %mul3A_141 = arith.mulf %convert_element_type3A_139, %mul3A_140 : vector<1024x1xf32>
      %swap3A_142 = arith.constant 0 : index
      %swap3A_143 = arith.constant 0 : index
      %swap3A_144 = vector.load %arg6[%swap3A_142, %swap3A_143] : memref<1024x1xf32, #tpu.memory_space<vmem>>, vector<1024x1xf32>
      tpu.vector_store %arg6[%swap3A_142, %swap3A_143], %mul3A_141 {strides = array<i32>} : memref<1024x1xf32, #tpu.memory_space<vmem>>, vector<1024x1xf32>,
    } else {
    }
    %get3A = arith.constant 0 : index
    %get3A_2 = arith.constant 0 : index
    %get3A_3 = vector.load %arg2[%get3A, %get3A_2] : memref<512x64xf32, #tpu.memory_space<vmem>>, vector<512x64xf32>
    %get3A_4 = arith.constant 0 : index
    %get3A_5 = memref.load %arg1[%get3A_4] : memref<7xf32, #tpu.memory_space<smem>>
    %gt3A = vector.broadcast %get3A_5 : f32 to vector<512x64xf32>
    %gt3A_6 = arith.cmpf ogt, %get3A_3, %gt3A : vector<512x64xf32>
    %convert_element_type3A_7 = arith.extui %gt3A_6 : vector<512x64xi1> to vector<512x64xi32>
    %convert_element_type3A_8 = arith.sitofp %convert_element_type3A_7 : vector<512x64xi32> to vector<512x64xf32>
    %convert_element_type3A_9 = arith.truncf %convert_element_type3A_8 : vector<512x64xf32> to vector<512x64xbf16>
    %get3A_10 = arith.constant 1 : index
    %get3A_11 = memref.load %arg1[%get3A_10] : memref<7xf32, #tpu.memory_space<smem>>
    %gt3A_12 = vector.broadcast %get3A_11 : f32 to vector<512x64xf32>
    %gt3A_13 = arith.cmpf ogt, %get3A_3, %gt3A_12 : vector<512x64xf32>
    %convert_element_type3A_14 = arith.extui %gt3A_13 : vector<512x64xi1> to vector<512x64xi32>
    %convert_element_type3A_15 = arith.sitofp %convert_element_type3A_14 : vector<512x64xi32> to vector<512x64xf32>
    %convert_element_type3A_16 = arith.truncf %convert_element_type3A_15 : vector<512x64xf32> to vector<512x64xbf16>
    %get3A_17 = arith.constant 2 : index
    %get3A_18 = memref.load %arg1[%get3A_17] : memref<7xf32, #tpu.memory_space<smem>>
    %gt3A_19 = vector.broadcast %get3A_18 : f32 to vector<512x64xf32>
    %gt3A_20 = arith.cmpf ogt, %get3A_3, %gt3A_19 : vector<512x64xf32>
    %convert_element_type3A_21 = arith.extui %gt3A_20 : vector<512x64xi1> to vector<512x64xi32>
    %convert_element_type3A_22 = arith.sitofp %convert_element_type3A_21 : vector<512x64xi32> to vector<512x64xf32>
    %convert_element_type3A_23 = arith.truncf %convert_element_type3A_22 : vector<512x64xf32> to vector<512x64xbf16>
    %get3A_24 = arith.constant 3 : index
    %get3A_25 = memref.load %arg1[%get3A_24] : memref<7xf32, #tpu.memory_space<smem>>
    %gt3A_26 = vector.broadcast %get3A_25 : f32 to vector<512x64xf32>
    %gt3A_27 = arith.cmpf ogt, %get3A_3, %gt3A_26 : vector<512x64xf32>
    %convert_element_type3A_28 = arith.extui %gt3A_27 : vector<512x64xi1> to vector<512x64xi32>
    %convert_element_type3A_29 = arith.sitofp %convert_element_type3A_28 : vector<512x64xi32> to vector<512x64xf32>
    %convert_element_type3A_30 = arith.truncf %convert_element_type3A_29 : vector<512x64xf32> to vector<512x64xbf16>
    %get3A_31 = arith.constant 4 : index
    %get3A_32 = memref.load %arg1[%get3A_31] : memref<7xf32, #tpu.memory_space<smem>>
    %gt3A_33 = vector.broadcast %get3A_32 : f32 to vector<512x64xf32>
    %gt3A_34 = arith.cmpf ogt, %get3A_3, %gt3A_33 : vector<512x64xf32>
    %convert_element_type3A_35 = arith.extui %gt3A_34 : vector<512x64xi1> to vector<512x64xi32>
    %convert_element_type3A_36 = arith.sitofp %convert_element_type3A_35 : vector<512x64xi32> to vector<512x64xf32>
    %convert_element_type3A_37 = arith.truncf %convert_element_type3A_36 : vector<512x64xf32> to vector<512x64xbf16>
    %get3A_38 = arith.constant 5 : index
    %get3A_39 = memref.load %arg1[%get3A_38] : memref<7xf32, #tpu.memory_space<smem>>
    %gt3A_40 = vector.broadcast %get3A_39 : f32 to vector<512x64xf32>
    %gt3A_41 = arith.cmpf ogt, %get3A_3, %gt3A_40 : vector<512x64xf32>
    %convert_element_type3A_42 = arith.extui %gt3A_41 : vector<512x64xi1> to vector<512x64xi32>
    %convert_element_type3A_43 = arith.sitofp %convert_element_type3A_42 : vector<512x64xi32> to vector<512x64xf32>
    %convert_element_type3A_44 = arith.truncf %convert_element_type3A_43 : vector<512x64xf32> to vector<512x64xbf16>
    %get3A_45 = arith.constant 6 : index
    %get3A_46 = memref.load %arg1[%get3A_45] : memref<7xf32, #tpu.memory_space<smem>>
    %gt3A_47 = vector.broadcast %get3A_46 : f32 to vector<512x64xf32>
    %gt3A_48 = arith.cmpf ogt, %get3A_3, %gt3A_47 : vector<512x64xf32>
    %convert_element_type3A_49 = arith.extui %gt3A_48 : vector<512x64xi1> to vector<512x64xi32>
    %convert_element_type3A_50 = arith.sitofp %convert_element_type3A_49 : vector<512x64xi32> to vector<512x64xf32>
    %convert_element_type3A_51 = arith.truncf %convert_element_type3A_50 : vector<512x64xf32> to vector<512x64xbf16>
    %sub3A = arith.constant 1.000000e+00 : bf16
    %sub3A_52 = vector.broadcast %sub3A : bf16 to vector<512x64xbf16>
    %sub3A_53 = arith.subf %sub3A_52, %convert_element_type3A_9 : vector<512x64xbf16>
    %sub3A_54 = arith.subf %convert_element_type3A_9, %convert_element_type3A_16 : vector<512x64xbf16>
    %sub3A_55 = arith.subf %convert_element_type3A_16, %convert_element_type3A_23 : vector<512x64xbf16>
    %sub3A_56 = arith.subf %convert_element_type3A_23, %convert_element_type3A_30 : vector<512x64xbf16>
    %sub3A_57 = arith.subf %convert_element_type3A_30, %convert_element_type3A_37 : vector<512x64xbf16>
    %sub3A_58 = arith.subf %convert_element_type3A_37, %convert_element_type3A_44 : vector<512x64xbf16>
    %sub3A_59 = arith.subf %convert_element_type3A_44, %convert_element_type3A_51 : vector<512x64xbf16>
    %concatenate3A = tpu.concatenate %sub3A_53, %sub3A_54, %sub3A_55, %sub3A_56, %sub3A_57, %sub3A_58, %sub3A_59, %convert_element_type3A_51 in 1 : vector<512x64xbf16>, vector<512x64xbf16>, vector<512x64xbf16>, vector<512x64xbf16>, vector<512x64xbf16>, vector<512x64xbf16>, vector<512x64xbf16>, vector<512x64xbf16> -> vector<512x512xbf16>
    %get3A_60 = arith.constant 0 : index
    %get3A_61 = arith.constant 0 : index
    %get3A_62 = vector.load %arg5[%get3A_60, %get3A_61] : memref<1024x512xbf16, #tpu.memory_space<vmem>>, vector<1024x512xbf16>
    %dot_general3A = arith.constant dense<0.000000e+00> : vector<1024x512xf32>
    %dot_general3A_63 = tpu.matmul %get3A_62, %concatenate3A, %dot_general3A {dimension_numbers = #tpu.dot_dimension_numbers<[1], [1], [0], [0], [0, 0, 1, 0], [], []>, transpose_lhs_hint = false} : vector<1024x512xbf16>, vector<512x512xbf16>, vector<1024x512xf32> -> vector<1024x512xf32>
    %get3A_64 = arith.constant 0 : index
    %get3A_65 = arith.constant 0 : index
    %get3A_66 = vector.load %arg6[%get3A_64, %get3A_65] : memref<1024x1xf32, #tpu.memory_space<vmem>>, vector<1024x1xf32>
    %add3A = vector.broadcast %get3A_66 : vector<1024x1xf32> to vector<1024x512xf32>
    %add3A_67 = arith.addf %dot_general3A_63, %add3A : vector<1024x512xf32>
    %reshape3A = vector.shape_cast %add3A_67 : vector<1024x512xf32> to vector<64x16x512xf32>
    %reduce_max3A = arith.constant dense<0xFF800000> : vector<64x512xf32>
    %reduce_max3A_68 = vector.multi_reduction <maximumf>, %reshape3A, %reduce_max3A [1] : vector<64x16x512xf32> to vector<64x512xf32>
    %transpose3A = tpu.transpose %reduce_max3A_68, [1, 0] : vector<64x512xf32> -> vector<512x64xf32>
    %swap3A = arith.constant 0 : index
    %swap3A_69 = arith.constant 0 : index
    %swap3A_70 = vector.load %arg4[%swap3A, %swap3A_69] : memref<512x64xf32, #tpu.memory_space<vmem>>, vector<512x64xf32>
    tpu.vector_store %arg4[%swap3A, %swap3A_69], %transpose3A {strides = array<i32>} : memref<512x64xf32, #tpu.memory_space<vmem>>, vector<512x64xf32>,
    return
  }
  func.func @transform_0(%arg0: i32) -> i32 {
    %c0_i32 = arith.constant 0 : i32
    %c0_i32_0 = arith.constant 0 : i32
    return %c0_i32 : i32
  }
  func.func @transform_1(%arg0: i32) -> (i32, i32) {
    %add3A = arith.constant 8 : i32
    %add3A_0 = arith.addi %add3A, %arg0 : i32
    %c0_i32 = arith.constant 0 : i32
    %c0_i32_1 = arith.constant 0 : i32
    return %add3A_0, %c0_i32 : i32, i32
  }
  func.func @transform_2(%arg0: i32) -> (i32, i32) {
    %c0_i32 = arith.constant 0 : i32
    %c0_i32_0 = arith.constant 0 : i32
    %c0_i32_1 = arith.constant 0 : i32
    return %c0_i32, %c0_i32_0 : i32, i32
  }
  func.func @transform_3(%arg0: i32) -> (i32, i32) {
    %c0_i32 = arith.constant 0 : i32
    %c0_i32_0 = arith.constant 0 : i32
    return %arg0, %c0_i32 : i32, i32
  }
}

module attributes {stable_mosaic.version = 14 : i64} {
  func.func @_match_kernel(%arg0: i32, %arg1: memref<7xf32, #tpu.memory_space<smem>>, %arg2: memref<512x64xf32, #tpu.memory_space<vmem>>, %arg3: memref<1024x64xf32, #tpu.memory_space<vmem>>, %arg4: memref<512x64xf32, #tpu.memory_space<vmem>>, %arg5: memref<1024x512xbf16, #tpu.memory_space<vmem>>, %arg6: memref<1024x1xf32, #tpu.memory_space<vmem>>) attributes {dimension_semantics = [#tpu.dimension_semantics<arbitrary>], iteration_bounds = array<i64: 4>, scalar_prefetch = 0 : i64, scratch_operands = 2 : i64, tpu.core_type = #tpu.core_type<tc>, window_params = [{transform_indices = @transform_0, window_bounds = array<i64: 7>}, {transform_indices = @transform_1, window_bounds = array<i64: 512, 64>}, {pipeline_mode = #tpu.pipeline_mode<synchronous>, transform_indices = @transform_2, window_bounds = array<i64: 1024, 64>}, {transform_indices = @transform_3, window_bounds = array<i64: 512, 64>}]} {
    %eq3A = arith.constant 0 : i32
    %eq3A_0 = arith.cmpi eq, %arg0, %eq3A : i32
    %convert_element_type3A = arith.extui %eq3A_0 : i1 to i32
    %cond3A = arith.constant 0 : i32
    %cond3A_1 = arith.cmpi ne, %convert_element_type3A, %cond3A : i32
    scf.if %cond3A_1 {
      %get3A_71 = arith.constant 0 : index
      %get3A_72 = arith.constant 0 : index
      %get3A_73 = vector.load %arg3[%get3A_71, %get3A_72] : memref<1024x64xf32, #tpu.memory_space<vmem>>, vector<1024x64xf32>
      %get3A_74 = arith.constant 0 : index
      %get3A_75 = memref.load %arg1[%get3A_74] : memref<7xf32, #tpu.memory_space<smem>>
      %gt3A_76 = vector.broadcast %get3A_75 : f32 to vector<1024x64xf32>
      %gt3A_77 = arith.cmpf ogt, %get3A_73, %gt3A_76 : vector<1024x64xf32>
      %convert_element_type3A_78 = arith.extui %gt3A_77 : vector<1024x64xi1> to vector<1024x64xi32>
      %convert_element_type3A_79 = arith.sitofp %convert_element_type3A_78 : vector<1024x64xi32> to vector<1024x64xf32>
      %convert_element_type3A_80 = arith.truncf %convert_element_type3A_79 : vector<1024x64xf32> to vector<1024x64xbf16>
      %get3A_81 = arith.constant 1 : index
      %get3A_82 = memref.load %arg1[%get3A_81] : memref<7xf32, #tpu.memory_space<smem>>
      %gt3A_83 = vector.broadcast %get3A_82 : f32 to vector<1024x64xf32>
      %gt3A_84 = arith.cmpf ogt, %get3A_73, %gt3A_83 : vector<1024x64xf32>
      %convert_element_type3A_85 = arith.extui %gt3A_84 : vector<1024x64xi1> to vector<1024x64xi32>
      %convert_element_type3A_86 = arith.sitofp %convert_element_type3A_85 : vector<1024x64xi32> to vector<1024x64xf32>
      %convert_element_type3A_87 = arith.truncf %convert_element_type3A_86 : vector<1024x64xf32> to vector<1024x64xbf16>
      %get3A_88 = arith.constant 2 : index
      %get3A_89 = memref.load %arg1[%get3A_88] : memref<7xf32, #tpu.memory_space<smem>>
      %gt3A_90 = vector.broadcast %get3A_89 : f32 to vector<1024x64xf32>
      %gt3A_91 = arith.cmpf ogt, %get3A_73, %gt3A_90 : vector<1024x64xf32>
      %convert_element_type3A_92 = arith.extui %gt3A_91 : vector<1024x64xi1> to vector<1024x64xi32>
      %convert_element_type3A_93 = arith.sitofp %convert_element_type3A_92 : vector<1024x64xi32> to vector<1024x64xf32>
      %convert_element_type3A_94 = arith.truncf %convert_element_type3A_93 : vector<1024x64xf32> to vector<1024x64xbf16>
      %get3A_95 = arith.constant 3 : index
      %get3A_96 = memref.load %arg1[%get3A_95] : memref<7xf32, #tpu.memory_space<smem>>
      %gt3A_97 = vector.broadcast %get3A_96 : f32 to vector<1024x64xf32>
      %gt3A_98 = arith.cmpf ogt, %get3A_73, %gt3A_97 : vector<1024x64xf32>
      %convert_element_type3A_99 = arith.extui %gt3A_98 : vector<1024x64xi1> to vector<1024x64xi32>
      %convert_element_type3A_100 = arith.sitofp %convert_element_type3A_99 : vector<1024x64xi32> to vector<1024x64xf32>
      %convert_element_type3A_101 = arith.truncf %convert_element_type3A_100 : vector<1024x64xf32> to vector<1024x64xbf16>
      %get3A_102 = arith.constant 4 : index
      %get3A_103 = memref.load %arg1[%get3A_102] : memref<7xf32, #tpu.memory_space<smem>>
      %gt3A_104 = vector.broadcast %get3A_103 : f32 to vector<1024x64xf32>
      %gt3A_105 = arith.cmpf ogt, %get3A_73, %gt3A_104 : vector<1024x64xf32>
      %convert_element_type3A_106 = arith.extui %gt3A_105 : vector<1024x64xi1> to vector<1024x64xi32>
      %convert_element_type3A_107 = arith.sitofp %convert_element_type3A_106 : vector<1024x64xi32> to vector<1024x64xf32>
      %convert_element_type3A_108 = arith.truncf %convert_element_type3A_107 : vector<1024x64xf32> to vector<1024x64xbf16>
      %get3A_109 = arith.constant 5 : index
      %get3A_110 = memref.load %arg1[%get3A_109] : memref<7xf32, #tpu.memory_space<smem>>
      %gt3A_111 = vector.broadcast %get3A_110 : f32 to vector<1024x64xf32>
      %gt3A_112 = arith.cmpf ogt, %get3A_73, %gt3A_111 : vector<1024x64xf32>
      %convert_element_type3A_113 = arith.extui %gt3A_112 : vector<1024x64xi1> to vector<1024x64xi32>
      %convert_element_type3A_114 = arith.sitofp %convert_element_type3A_113 : vector<1024x64xi32> to vector<1024x64xf32>
      %convert_element_type3A_115 = arith.truncf %convert_element_type3A_114 : vector<1024x64xf32> to vector<1024x64xbf16>
      %get3A_116 = arith.constant 6 : index
      %get3A_117 = memref.load %arg1[%get3A_116] : memref<7xf32, #tpu.memory_space<smem>>
      %gt3A_118 = vector.broadcast %get3A_117 : f32 to vector<1024x64xf32>
      %gt3A_119 = arith.cmpf ogt, %get3A_73, %gt3A_118 : vector<1024x64xf32>
      %convert_element_type3A_120 = arith.extui %gt3A_119 : vector<1024x64xi1> to vector<1024x64xi32>
      %convert_element_type3A_121 = arith.sitofp %convert_element_type3A_120 : vector<1024x64xi32> to vector<1024x64xf32>
      %convert_element_type3A_122 = arith.truncf %convert_element_type3A_121 : vector<1024x64xf32> to vector<1024x64xbf16>
      %sub3A_123 = arith.constant 1.000000e+00 : bf16
      %sub3A_124 = vector.broadcast %sub3A_123 : bf16 to vector<1024x64xbf16>
      %sub3A_125 = arith.subf %sub3A_124, %convert_element_type3A_80 : vector<1024x64xbf16>
      %sub3A_126 = arith.subf %convert_element_type3A_80, %convert_element_type3A_87 : vector<1024x64xbf16>
      %sub3A_127 = arith.subf %convert_element_type3A_87, %convert_element_type3A_94 : vector<1024x64xbf16>
      %sub3A_128 = arith.subf %convert_element_type3A_94, %convert_element_type3A_101 : vector<1024x64xbf16>
      %sub3A_129 = arith.subf %convert_element_type3A_101, %convert_element_type3A_108 : vector<1024x64xbf16>
      %sub3A_130 = arith.subf %convert_element_type3A_108, %convert_element_type3A_115 : vector<1024x64xbf16>
      %sub3A_131 = arith.subf %convert_element_type3A_115, %convert_element_type3A_122 : vector<1024x64xbf16>
      %concatenate3A_132 = tpu.concatenate %sub3A_125, %sub3A_126, %sub3A_127, %sub3A_128, %sub3A_129, %sub3A_130, %sub3A_131, %convert_element_type3A_122 in 1 : vector<1024x64xbf16>, vector<1024x64xbf16>, vector<1024x64xbf16>, vector<1024x64xbf16>, vector<1024x64xbf16>, vector<1024x64xbf16>, vector<1024x64xbf16>, vector<1024x64xbf16> -> vector<1024x512xbf16>
      %swap3A_133 = arith.constant 0 : index
      %swap3A_134 = arith.constant 0 : index
      %swap3A_135 = vector.load %arg5[%swap3A_133, %swap3A_134] : memref<1024x512xbf16, #tpu.memory_space<vmem>>, vector<1024x512xbf16>
      tpu.vector_store %arg5[%swap3A_133, %swap3A_134], %concatenate3A_132 {strides = array<i32>} : memref<1024x512xbf16, #tpu.memory_space<vmem>>, vector<1024x512xbf16>,
      %iota3A = tpu.iota {dimensions = array<i32: 0>} : vector<1024x1xi32>
      %sub3A_136 = arith.constant 1023 : i32
      %sub3A_137 = vector.broadcast %sub3A_136 : i32 to vector<1024x1xi32>
      %sub3A_138 = arith.subi %sub3A_137, %iota3A : vector<1024x1xi32>
      %convert_element_type3A_139 = arith.sitofp %sub3A_138 : vector<1024x1xi32> to vector<1024x1xf32>
      %mul3A = arith.constant 9.765625E-4 : f32
      %mul3A_140 = vector.broadcast %mul3A : f32 to vector<1024x1xf32>
      %mul3A_141 = arith.mulf %convert_element_type3A_139, %mul3A_140 : vector<1024x1xf32>
      %swap3A_142 = arith.constant 0 : index
      %swap3A_143 = arith.constant 0 : index
      %swap3A_144 = vector.load %arg6[%swap3A_142, %swap3A_143] : memref<1024x1xf32, #tpu.memory_space<vmem>>, vector<1024x1xf32>
      tpu.vector_store %arg6[%swap3A_142, %swap3A_143], %mul3A_141 {strides = array<i32>} : memref<1024x1xf32, #tpu.memory_space<vmem>>, vector<1024x1xf32>,
    } else {
    }
    %get3A = arith.constant 0 : index
    %get3A_2 = arith.constant 0 : index
    %get3A_3 = vector.load %arg2[%get3A, %get3A_2] : memref<512x64xf32, #tpu.memory_space<vmem>>, vector<512x64xf32>
    %get3A_4 = arith.constant 0 : index
    %get3A_5 = memref.load %arg1[%get3A_4] : memref<7xf32, #tpu.memory_space<smem>>
    %gt3A = vector.broadcast %get3A_5 : f32 to vector<512x64xf32>
    %gt3A_6 = arith.cmpf ogt, %get3A_3, %gt3A : vector<512x64xf32>
    %convert_element_type3A_7 = arith.extui %gt3A_6 : vector<512x64xi1> to vector<512x64xi32>
    %convert_element_type3A_8 = arith.sitofp %convert_element_type3A_7 : vector<512x64xi32> to vector<512x64xf32>
    %convert_element_type3A_9 = arith.truncf %convert_element_type3A_8 : vector<512x64xf32> to vector<512x64xbf16>
    %get3A_10 = arith.constant 1 : index
    %get3A_11 = memref.load %arg1[%get3A_10] : memref<7xf32, #tpu.memory_space<smem>>
    %gt3A_12 = vector.broadcast %get3A_11 : f32 to vector<512x64xf32>
    %gt3A_13 = arith.cmpf ogt, %get3A_3, %gt3A_12 : vector<512x64xf32>
    %convert_element_type3A_14 = arith.extui %gt3A_13 : vector<512x64xi1> to vector<512x64xi32>
    %convert_element_type3A_15 = arith.sitofp %convert_element_type3A_14 : vector<512x64xi32> to vector<512x64xf32>
    %convert_element_type3A_16 = arith.truncf %convert_element_type3A_15 : vector<512x64xf32> to vector<512x64xbf16>
    %get3A_17 = arith.constant 2 : index
    %get3A_18 = memref.load %arg1[%get3A_17] : memref<7xf32, #tpu.memory_space<smem>>
    %gt3A_19 = vector.broadcast %get3A_18 : f32 to vector<512x64xf32>
    %gt3A_20 = arith.cmpf ogt, %get3A_3, %gt3A_19 : vector<512x64xf32>
    %convert_element_type3A_21 = arith.extui %gt3A_20 : vector<512x64xi1> to vector<512x64xi32>
    %convert_element_type3A_22 = arith.sitofp %convert_element_type3A_21 : vector<512x64xi32> to vector<512x64xf32>
    %convert_element_type3A_23 = arith.truncf %convert_element_type3A_22 : vector<512x64xf32> to vector<512x64xbf16>
    %get3A_24 = arith.constant 3 : index
    %get3A_25 = memref.load %arg1[%get3A_24] : memref<7xf32, #tpu.memory_space<smem>>
    %gt3A_26 = vector.broadcast %get3A_25 : f32 to vector<512x64xf32>
    %gt3A_27 = arith.cmpf ogt, %get3A_3, %gt3A_26 : vector<512x64xf32>
    %convert_element_type3A_28 = arith.extui %gt3A_27 : vector<512x64xi1> to vector<512x64xi32>
    %convert_element_type3A_29 = arith.sitofp %convert_element_type3A_28 : vector<512x64xi32> to vector<512x64xf32>
    %convert_element_type3A_30 = arith.truncf %convert_element_type3A_29 : vector<512x64xf32> to vector<512x64xbf16>
    %get3A_31 = arith.constant 4 : index
    %get3A_32 = memref.load %arg1[%get3A_31] : memref<7xf32, #tpu.memory_space<smem>>
    %gt3A_33 = vector.broadcast %get3A_32 : f32 to vector<512x64xf32>
    %gt3A_34 = arith.cmpf ogt, %get3A_3, %gt3A_33 : vector<512x64xf32>
    %convert_element_type3A_35 = arith.extui %gt3A_34 : vector<512x64xi1> to vector<512x64xi32>
    %convert_element_type3A_36 = arith.sitofp %convert_element_type3A_35 : vector<512x64xi32> to vector<512x64xf32>
    %convert_element_type3A_37 = arith.truncf %convert_element_type3A_36 : vector<512x64xf32> to vector<512x64xbf16>
    %get3A_38 = arith.constant 5 : index
    %get3A_39 = memref.load %arg1[%get3A_38] : memref<7xf32, #tpu.memory_space<smem>>
    %gt3A_40 = vector.broadcast %get3A_39 : f32 to vector<512x64xf32>
    %gt3A_41 = arith.cmpf ogt, %get3A_3, %gt3A_40 : vector<512x64xf32>
    %convert_element_type3A_42 = arith.extui %gt3A_41 : vector<512x64xi1> to vector<512x64xi32>
    %convert_element_type3A_43 = arith.sitofp %convert_element_type3A_42 : vector<512x64xi32> to vector<512x64xf32>
    %convert_element_type3A_44 = arith.truncf %convert_element_type3A_43 : vector<512x64xf32> to vector<512x64xbf16>
    %get3A_45 = arith.constant 6 : index
    %get3A_46 = memref.load %arg1[%get3A_45] : memref<7xf32, #tpu.memory_space<smem>>
    %gt3A_47 = vector.broadcast %get3A_46 : f32 to vector<512x64xf32>
    %gt3A_48 = arith.cmpf ogt, %get3A_3, %gt3A_47 : vector<512x64xf32>
    %convert_element_type3A_49 = arith.extui %gt3A_48 : vector<512x64xi1> to vector<512x64xi32>
    %convert_element_type3A_50 = arith.sitofp %convert_element_type3A_49 : vector<512x64xi32> to vector<512x64xf32>
    %convert_element_type3A_51 = arith.truncf %convert_element_type3A_50 : vector<512x64xf32> to vector<512x64xbf16>
    %sub3A = arith.constant 1.000000e+00 : bf16
    %sub3A_52 = vector.broadcast %sub3A : bf16 to vector<512x64xbf16>
    %sub3A_53 = arith.subf %sub3A_52, %convert_element_type3A_9 : vector<512x64xbf16>
    %sub3A_54 = arith.subf %convert_element_type3A_9, %convert_element_type3A_16 : vector<512x64xbf16>
    %sub3A_55 = arith.subf %convert_element_type3A_16, %convert_element_type3A_23 : vector<512x64xbf16>
    %sub3A_56 = arith.subf %convert_element_type3A_23, %convert_element_type3A_30 : vector<512x64xbf16>
    %sub3A_57 = arith.subf %convert_element_type3A_30, %convert_element_type3A_37 : vector<512x64xbf16>
    %sub3A_58 = arith.subf %convert_element_type3A_37, %convert_element_type3A_44 : vector<512x64xbf16>
    %sub3A_59 = arith.subf %convert_element_type3A_44, %convert_element_type3A_51 : vector<512x64xbf16>
    %concatenate3A = tpu.concatenate %sub3A_53, %sub3A_54, %sub3A_55, %sub3A_56, %sub3A_57, %sub3A_58, %sub3A_59, %convert_element_type3A_51 in 1 : vector<512x64xbf16>, vector<512x64xbf16>, vector<512x64xbf16>, vector<512x64xbf16>, vector<512x64xbf16>, vector<512x64xbf16>, vector<512x64xbf16>, vector<512x64xbf16> -> vector<512x512xbf16>
    %get3A_60 = arith.constant 0 : index
    %get3A_61 = arith.constant 0 : index
    %get3A_62 = vector.load %arg5[%get3A_60, %get3A_61] : memref<1024x512xbf16, #tpu.memory_space<vmem>>, vector<1024x512xbf16>
    %dot_general3A = arith.constant dense<0.000000e+00> : vector<1024x512xf32>
    %dot_general3A_63 = tpu.matmul %get3A_62, %concatenate3A, %dot_general3A {dimension_numbers = #tpu.dot_dimension_numbers<[1], [1], [0], [0], [0, 0, 1, 0], [], []>, transpose_lhs_hint = false} : vector<1024x512xbf16>, vector<512x512xbf16>, vector<1024x512xf32> -> vector<1024x512xf32>
    %get3A_64 = arith.constant 0 : index
    %get3A_65 = arith.constant 0 : index
    %get3A_66 = vector.load %arg6[%get3A_64, %get3A_65] : memref<1024x1xf32, #tpu.memory_space<vmem>>, vector<1024x1xf32>
    %add3A = vector.broadcast %get3A_66 : vector<1024x1xf32> to vector<1024x512xf32>
    %add3A_67 = arith.addf %dot_general3A_63, %add3A : vector<1024x512xf32>
    %reshape3A = vector.shape_cast %add3A_67 : vector<1024x512xf32> to vector<64x16x512xf32>
    %reduce_max3A = arith.constant dense<0xFF800000> : vector<64x512xf32>
    %reduce_max3A_68 = vector.multi_reduction <maximumf>, %reshape3A, %reduce_max3A [1] : vector<64x16x512xf32> to vector<64x512xf32>
    %transpose3A = tpu.transpose %reduce_max3A_68, [1, 0] : vector<64x512xf32> -> vector<512x64xf32>
    %swap3A = arith.constant 0 : index
    %swap3A_69 = arith.constant 0 : index
    %swap3A_70 = vector.load %arg4[%swap3A, %swap3A_69] : memref<512x64xf32, #tpu.memory_space<vmem>>, vector<512x64xf32>
    tpu.vector_store %arg4[%swap3A, %swap3A_69], %transpose3A {strides = array<i32>} : memref<512x64xf32, #tpu.memory_space<vmem>>, vector<512x64xf32>,
    return
  }
  func.func @transform_0(%arg0: i32) -> i32 {
    %c0_i32 = arith.constant 0 : i32
    %c0_i32_0 = arith.constant 0 : i32
    return %c0_i32 : i32
  }
  func.func @transform_1(%arg0: i32) -> (i32, i32) {
    %add3A = arith.constant 4 : i32
    %add3A_0 = arith.addi %add3A, %arg0 : i32
    %c0_i32 = arith.constant 0 : i32
    %c0_i32_1 = arith.constant 0 : i32
    return %add3A_0, %c0_i32 : i32, i32
  }
  func.func @transform_2(%arg0: i32) -> (i32, i32) {
    %c0_i32 = arith.constant 0 : i32
    %c0_i32_0 = arith.constant 0 : i32
    %c0_i32_1 = arith.constant 0 : i32
    return %c0_i32, %c0_i32_0 : i32, i32
  }
  func.func @transform_3(%arg0: i32) -> (i32, i32) {
    %c0_i32 = arith.constant 0 : i32
    %c0_i32_0 = arith.constant 0 : i32
    return %arg0, %c0_i32 : i32, i32
  }
}

module attributes {stable_mosaic.version = 14 : i64} {
  func.func @_match_kernel(%arg0: i32, %arg1: memref<7xf32, #tpu.memory_space<smem>>, %arg2: memref<512x64xf32, #tpu.memory_space<vmem>>, %arg3: memref<1024x64xf32, #tpu.memory_space<vmem>>, %arg4: memref<512x64xf32, #tpu.memory_space<vmem>>, %arg5: memref<1024x512xbf16, #tpu.memory_space<vmem>>, %arg6: memref<1024x1xf32, #tpu.memory_space<vmem>>) attributes {dimension_semantics = [#tpu.dimension_semantics<arbitrary>], iteration_bounds = array<i64: 4>, scalar_prefetch = 0 : i64, scratch_operands = 2 : i64, tpu.core_type = #tpu.core_type<tc>, window_params = [{transform_indices = @transform_0, window_bounds = array<i64: 7>}, {transform_indices = @transform_1, window_bounds = array<i64: 512, 64>}, {pipeline_mode = #tpu.pipeline_mode<synchronous>, transform_indices = @transform_2, window_bounds = array<i64: 1024, 64>}, {transform_indices = @transform_3, window_bounds = array<i64: 512, 64>}]} {
    %eq3A = arith.constant 0 : i32
    %eq3A_0 = arith.cmpi eq, %arg0, %eq3A : i32
    %convert_element_type3A = arith.extui %eq3A_0 : i1 to i32
    %cond3A = arith.constant 0 : i32
    %cond3A_1 = arith.cmpi ne, %convert_element_type3A, %cond3A : i32
    scf.if %cond3A_1 {
      %get3A_71 = arith.constant 0 : index
      %get3A_72 = arith.constant 0 : index
      %get3A_73 = vector.load %arg3[%get3A_71, %get3A_72] : memref<1024x64xf32, #tpu.memory_space<vmem>>, vector<1024x64xf32>
      %get3A_74 = arith.constant 0 : index
      %get3A_75 = memref.load %arg1[%get3A_74] : memref<7xf32, #tpu.memory_space<smem>>
      %gt3A_76 = vector.broadcast %get3A_75 : f32 to vector<1024x64xf32>
      %gt3A_77 = arith.cmpf ogt, %get3A_73, %gt3A_76 : vector<1024x64xf32>
      %convert_element_type3A_78 = arith.extui %gt3A_77 : vector<1024x64xi1> to vector<1024x64xi32>
      %convert_element_type3A_79 = arith.sitofp %convert_element_type3A_78 : vector<1024x64xi32> to vector<1024x64xf32>
      %convert_element_type3A_80 = arith.truncf %convert_element_type3A_79 : vector<1024x64xf32> to vector<1024x64xbf16>
      %get3A_81 = arith.constant 1 : index
      %get3A_82 = memref.load %arg1[%get3A_81] : memref<7xf32, #tpu.memory_space<smem>>
      %gt3A_83 = vector.broadcast %get3A_82 : f32 to vector<1024x64xf32>
      %gt3A_84 = arith.cmpf ogt, %get3A_73, %gt3A_83 : vector<1024x64xf32>
      %convert_element_type3A_85 = arith.extui %gt3A_84 : vector<1024x64xi1> to vector<1024x64xi32>
      %convert_element_type3A_86 = arith.sitofp %convert_element_type3A_85 : vector<1024x64xi32> to vector<1024x64xf32>
      %convert_element_type3A_87 = arith.truncf %convert_element_type3A_86 : vector<1024x64xf32> to vector<1024x64xbf16>
      %get3A_88 = arith.constant 2 : index
      %get3A_89 = memref.load %arg1[%get3A_88] : memref<7xf32, #tpu.memory_space<smem>>
      %gt3A_90 = vector.broadcast %get3A_89 : f32 to vector<1024x64xf32>
      %gt3A_91 = arith.cmpf ogt, %get3A_73, %gt3A_90 : vector<1024x64xf32>
      %convert_element_type3A_92 = arith.extui %gt3A_91 : vector<1024x64xi1> to vector<1024x64xi32>
      %convert_element_type3A_93 = arith.sitofp %convert_element_type3A_92 : vector<1024x64xi32> to vector<1024x64xf32>
      %convert_element_type3A_94 = arith.truncf %convert_element_type3A_93 : vector<1024x64xf32> to vector<1024x64xbf16>
      %get3A_95 = arith.constant 3 : index
      %get3A_96 = memref.load %arg1[%get3A_95] : memref<7xf32, #tpu.memory_space<smem>>
      %gt3A_97 = vector.broadcast %get3A_96 : f32 to vector<1024x64xf32>
      %gt3A_98 = arith.cmpf ogt, %get3A_73, %gt3A_97 : vector<1024x64xf32>
      %convert_element_type3A_99 = arith.extui %gt3A_98 : vector<1024x64xi1> to vector<1024x64xi32>
      %convert_element_type3A_100 = arith.sitofp %convert_element_type3A_99 : vector<1024x64xi32> to vector<1024x64xf32>
      %convert_element_type3A_101 = arith.truncf %convert_element_type3A_100 : vector<1024x64xf32> to vector<1024x64xbf16>
      %get3A_102 = arith.constant 4 : index
      %get3A_103 = memref.load %arg1[%get3A_102] : memref<7xf32, #tpu.memory_space<smem>>
      %gt3A_104 = vector.broadcast %get3A_103 : f32 to vector<1024x64xf32>
      %gt3A_105 = arith.cmpf ogt, %get3A_73, %gt3A_104 : vector<1024x64xf32>
      %convert_element_type3A_106 = arith.extui %gt3A_105 : vector<1024x64xi1> to vector<1024x64xi32>
      %convert_element_type3A_107 = arith.sitofp %convert_element_type3A_106 : vector<1024x64xi32> to vector<1024x64xf32>
      %convert_element_type3A_108 = arith.truncf %convert_element_type3A_107 : vector<1024x64xf32> to vector<1024x64xbf16>
      %get3A_109 = arith.constant 5 : index
      %get3A_110 = memref.load %arg1[%get3A_109] : memref<7xf32, #tpu.memory_space<smem>>
      %gt3A_111 = vector.broadcast %get3A_110 : f32 to vector<1024x64xf32>
      %gt3A_112 = arith.cmpf ogt, %get3A_73, %gt3A_111 : vector<1024x64xf32>
      %convert_element_type3A_113 = arith.extui %gt3A_112 : vector<1024x64xi1> to vector<1024x64xi32>
      %convert_element_type3A_114 = arith.sitofp %convert_element_type3A_113 : vector<1024x64xi32> to vector<1024x64xf32>
      %convert_element_type3A_115 = arith.truncf %convert_element_type3A_114 : vector<1024x64xf32> to vector<1024x64xbf16>
      %get3A_116 = arith.constant 6 : index
      %get3A_117 = memref.load %arg1[%get3A_116] : memref<7xf32, #tpu.memory_space<smem>>
      %gt3A_118 = vector.broadcast %get3A_117 : f32 to vector<1024x64xf32>
      %gt3A_119 = arith.cmpf ogt, %get3A_73, %gt3A_118 : vector<1024x64xf32>
      %convert_element_type3A_120 = arith.extui %gt3A_119 : vector<1024x64xi1> to vector<1024x64xi32>
      %convert_element_type3A_121 = arith.sitofp %convert_element_type3A_120 : vector<1024x64xi32> to vector<1024x64xf32>
      %convert_element_type3A_122 = arith.truncf %convert_element_type3A_121 : vector<1024x64xf32> to vector<1024x64xbf16>
      %sub3A_123 = arith.constant 1.000000e+00 : bf16
      %sub3A_124 = vector.broadcast %sub3A_123 : bf16 to vector<1024x64xbf16>
      %sub3A_125 = arith.subf %sub3A_124, %convert_element_type3A_80 : vector<1024x64xbf16>
      %sub3A_126 = arith.subf %convert_element_type3A_80, %convert_element_type3A_87 : vector<1024x64xbf16>
      %sub3A_127 = arith.subf %convert_element_type3A_87, %convert_element_type3A_94 : vector<1024x64xbf16>
      %sub3A_128 = arith.subf %convert_element_type3A_94, %convert_element_type3A_101 : vector<1024x64xbf16>
      %sub3A_129 = arith.subf %convert_element_type3A_101, %convert_element_type3A_108 : vector<1024x64xbf16>
      %sub3A_130 = arith.subf %convert_element_type3A_108, %convert_element_type3A_115 : vector<1024x64xbf16>
      %sub3A_131 = arith.subf %convert_element_type3A_115, %convert_element_type3A_122 : vector<1024x64xbf16>
      %concatenate3A_132 = tpu.concatenate %sub3A_125, %sub3A_126, %sub3A_127, %sub3A_128, %sub3A_129, %sub3A_130, %sub3A_131, %convert_element_type3A_122 in 1 : vector<1024x64xbf16>, vector<1024x64xbf16>, vector<1024x64xbf16>, vector<1024x64xbf16>, vector<1024x64xbf16>, vector<1024x64xbf16>, vector<1024x64xbf16>, vector<1024x64xbf16> -> vector<1024x512xbf16>
      %swap3A_133 = arith.constant 0 : index
      %swap3A_134 = arith.constant 0 : index
      %swap3A_135 = vector.load %arg5[%swap3A_133, %swap3A_134] : memref<1024x512xbf16, #tpu.memory_space<vmem>>, vector<1024x512xbf16>
      tpu.vector_store %arg5[%swap3A_133, %swap3A_134], %concatenate3A_132 {strides = array<i32>} : memref<1024x512xbf16, #tpu.memory_space<vmem>>, vector<1024x512xbf16>,
      %iota3A = tpu.iota {dimensions = array<i32: 0>} : vector<1024x1xi32>
      %sub3A_136 = arith.constant 1023 : i32
      %sub3A_137 = vector.broadcast %sub3A_136 : i32 to vector<1024x1xi32>
      %sub3A_138 = arith.subi %sub3A_137, %iota3A : vector<1024x1xi32>
      %convert_element_type3A_139 = arith.sitofp %sub3A_138 : vector<1024x1xi32> to vector<1024x1xf32>
      %mul3A = arith.constant 9.765625E-4 : f32
      %mul3A_140 = vector.broadcast %mul3A : f32 to vector<1024x1xf32>
      %mul3A_141 = arith.mulf %convert_element_type3A_139, %mul3A_140 : vector<1024x1xf32>
      %swap3A_142 = arith.constant 0 : index
      %swap3A_143 = arith.constant 0 : index
      %swap3A_144 = vector.load %arg6[%swap3A_142, %swap3A_143] : memref<1024x1xf32, #tpu.memory_space<vmem>>, vector<1024x1xf32>
      tpu.vector_store %arg6[%swap3A_142, %swap3A_143], %mul3A_141 {strides = array<i32>} : memref<1024x1xf32, #tpu.memory_space<vmem>>, vector<1024x1xf32>,
    } else {
    }
    %get3A = arith.constant 0 : index
    %get3A_2 = arith.constant 0 : index
    %get3A_3 = vector.load %arg2[%get3A, %get3A_2] : memref<512x64xf32, #tpu.memory_space<vmem>>, vector<512x64xf32>
    %get3A_4 = arith.constant 0 : index
    %get3A_5 = memref.load %arg1[%get3A_4] : memref<7xf32, #tpu.memory_space<smem>>
    %gt3A = vector.broadcast %get3A_5 : f32 to vector<512x64xf32>
    %gt3A_6 = arith.cmpf ogt, %get3A_3, %gt3A : vector<512x64xf32>
    %convert_element_type3A_7 = arith.extui %gt3A_6 : vector<512x64xi1> to vector<512x64xi32>
    %convert_element_type3A_8 = arith.sitofp %convert_element_type3A_7 : vector<512x64xi32> to vector<512x64xf32>
    %convert_element_type3A_9 = arith.truncf %convert_element_type3A_8 : vector<512x64xf32> to vector<512x64xbf16>
    %get3A_10 = arith.constant 1 : index
    %get3A_11 = memref.load %arg1[%get3A_10] : memref<7xf32, #tpu.memory_space<smem>>
    %gt3A_12 = vector.broadcast %get3A_11 : f32 to vector<512x64xf32>
    %gt3A_13 = arith.cmpf ogt, %get3A_3, %gt3A_12 : vector<512x64xf32>
    %convert_element_type3A_14 = arith.extui %gt3A_13 : vector<512x64xi1> to vector<512x64xi32>
    %convert_element_type3A_15 = arith.sitofp %convert_element_type3A_14 : vector<512x64xi32> to vector<512x64xf32>
    %convert_element_type3A_16 = arith.truncf %convert_element_type3A_15 : vector<512x64xf32> to vector<512x64xbf16>
    %get3A_17 = arith.constant 2 : index
    %get3A_18 = memref.load %arg1[%get3A_17] : memref<7xf32, #tpu.memory_space<smem>>
    %gt3A_19 = vector.broadcast %get3A_18 : f32 to vector<512x64xf32>
    %gt3A_20 = arith.cmpf ogt, %get3A_3, %gt3A_19 : vector<512x64xf32>
    %convert_element_type3A_21 = arith.extui %gt3A_20 : vector<512x64xi1> to vector<512x64xi32>
    %convert_element_type3A_22 = arith.sitofp %convert_element_type3A_21 : vector<512x64xi32> to vector<512x64xf32>
    %convert_element_type3A_23 = arith.truncf %convert_element_type3A_22 : vector<512x64xf32> to vector<512x64xbf16>
    %get3A_24 = arith.constant 3 : index
    %get3A_25 = memref.load %arg1[%get3A_24] : memref<7xf32, #tpu.memory_space<smem>>
    %gt3A_26 = vector.broadcast %get3A_25 : f32 to vector<512x64xf32>
    %gt3A_27 = arith.cmpf ogt, %get3A_3, %gt3A_26 : vector<512x64xf32>
    %convert_element_type3A_28 = arith.extui %gt3A_27 : vector<512x64xi1> to vector<512x64xi32>
    %convert_element_type3A_29 = arith.sitofp %convert_element_type3A_28 : vector<512x64xi32> to vector<512x64xf32>
    %convert_element_type3A_30 = arith.truncf %convert_element_type3A_29 : vector<512x64xf32> to vector<512x64xbf16>
    %get3A_31 = arith.constant 4 : index
    %get3A_32 = memref.load %arg1[%get3A_31] : memref<7xf32, #tpu.memory_space<smem>>
    %gt3A_33 = vector.broadcast %get3A_32 : f32 to vector<512x64xf32>
    %gt3A_34 = arith.cmpf ogt, %get3A_3, %gt3A_33 : vector<512x64xf32>
    %convert_element_type3A_35 = arith.extui %gt3A_34 : vector<512x64xi1> to vector<512x64xi32>
    %convert_element_type3A_36 = arith.sitofp %convert_element_type3A_35 : vector<512x64xi32> to vector<512x64xf32>
    %convert_element_type3A_37 = arith.truncf %convert_element_type3A_36 : vector<512x64xf32> to vector<512x64xbf16>
    %get3A_38 = arith.constant 5 : index
    %get3A_39 = memref.load %arg1[%get3A_38] : memref<7xf32, #tpu.memory_space<smem>>
    %gt3A_40 = vector.broadcast %get3A_39 : f32 to vector<512x64xf32>
    %gt3A_41 = arith.cmpf ogt, %get3A_3, %gt3A_40 : vector<512x64xf32>
    %convert_element_type3A_42 = arith.extui %gt3A_41 : vector<512x64xi1> to vector<512x64xi32>
    %convert_element_type3A_43 = arith.sitofp %convert_element_type3A_42 : vector<512x64xi32> to vector<512x64xf32>
    %convert_element_type3A_44 = arith.truncf %convert_element_type3A_43 : vector<512x64xf32> to vector<512x64xbf16>
    %get3A_45 = arith.constant 6 : index
    %get3A_46 = memref.load %arg1[%get3A_45] : memref<7xf32, #tpu.memory_space<smem>>
    %gt3A_47 = vector.broadcast %get3A_46 : f32 to vector<512x64xf32>
    %gt3A_48 = arith.cmpf ogt, %get3A_3, %gt3A_47 : vector<512x64xf32>
    %convert_element_type3A_49 = arith.extui %gt3A_48 : vector<512x64xi1> to vector<512x64xi32>
    %convert_element_type3A_50 = arith.sitofp %convert_element_type3A_49 : vector<512x64xi32> to vector<512x64xf32>
    %convert_element_type3A_51 = arith.truncf %convert_element_type3A_50 : vector<512x64xf32> to vector<512x64xbf16>
    %sub3A = arith.constant 1.000000e+00 : bf16
    %sub3A_52 = vector.broadcast %sub3A : bf16 to vector<512x64xbf16>
    %sub3A_53 = arith.subf %sub3A_52, %convert_element_type3A_9 : vector<512x64xbf16>
    %sub3A_54 = arith.subf %convert_element_type3A_9, %convert_element_type3A_16 : vector<512x64xbf16>
    %sub3A_55 = arith.subf %convert_element_type3A_16, %convert_element_type3A_23 : vector<512x64xbf16>
    %sub3A_56 = arith.subf %convert_element_type3A_23, %convert_element_type3A_30 : vector<512x64xbf16>
    %sub3A_57 = arith.subf %convert_element_type3A_30, %convert_element_type3A_37 : vector<512x64xbf16>
    %sub3A_58 = arith.subf %convert_element_type3A_37, %convert_element_type3A_44 : vector<512x64xbf16>
    %sub3A_59 = arith.subf %convert_element_type3A_44, %convert_element_type3A_51 : vector<512x64xbf16>
    %concatenate3A = tpu.concatenate %sub3A_53, %sub3A_54, %sub3A_55, %sub3A_56, %sub3A_57, %sub3A_58, %sub3A_59, %convert_element_type3A_51 in 1 : vector<512x64xbf16>, vector<512x64xbf16>, vector<512x64xbf16>, vector<512x64xbf16>, vector<512x64xbf16>, vector<512x64xbf16>, vector<512x64xbf16>, vector<512x64xbf16> -> vector<512x512xbf16>
    %get3A_60 = arith.constant 0 : index
    %get3A_61 = arith.constant 0 : index
    %get3A_62 = vector.load %arg5[%get3A_60, %get3A_61] : memref<1024x512xbf16, #tpu.memory_space<vmem>>, vector<1024x512xbf16>
    %dot_general3A = arith.constant dense<0.000000e+00> : vector<1024x512xf32>
    %dot_general3A_63 = tpu.matmul %get3A_62, %concatenate3A, %dot_general3A {dimension_numbers = #tpu.dot_dimension_numbers<[1], [1], [0], [0], [0, 0, 1, 0], [], []>, transpose_lhs_hint = false} : vector<1024x512xbf16>, vector<512x512xbf16>, vector<1024x512xf32> -> vector<1024x512xf32>
    %get3A_64 = arith.constant 0 : index
    %get3A_65 = arith.constant 0 : index
    %get3A_66 = vector.load %arg6[%get3A_64, %get3A_65] : memref<1024x1xf32, #tpu.memory_space<vmem>>, vector<1024x1xf32>
    %add3A = vector.broadcast %get3A_66 : vector<1024x1xf32> to vector<1024x512xf32>
    %add3A_67 = arith.addf %dot_general3A_63, %add3A : vector<1024x512xf32>
    %reshape3A = vector.shape_cast %add3A_67 : vector<1024x512xf32> to vector<64x16x512xf32>
    %reduce_max3A = arith.constant dense<0xFF800000> : vector<64x512xf32>
    %reduce_max3A_68 = vector.multi_reduction <maximumf>, %reshape3A, %reduce_max3A [1] : vector<64x16x512xf32> to vector<64x512xf32>
    %transpose3A = tpu.transpose %reduce_max3A_68, [1, 0] : vector<64x512xf32> -> vector<512x64xf32>
    %swap3A = arith.constant 0 : index
    %swap3A_69 = arith.constant 0 : index
    %swap3A_70 = vector.load %arg4[%swap3A, %swap3A_69] : memref<512x64xf32, #tpu.memory_space<vmem>>, vector<512x64xf32>
    tpu.vector_store %arg4[%swap3A, %swap3A_69], %transpose3A {strides = array<i32>} : memref<512x64xf32, #tpu.memory_space<vmem>>, vector<512x64xf32>,
    return
  }
  func.func @transform_0(%arg0: i32) -> i32 {
    %c0_i32 = arith.constant 0 : i32
    %c0_i32_0 = arith.constant 0 : i32
    return %c0_i32 : i32
  }
  func.func @transform_1(%arg0: i32) -> (i32, i32) {
    %add3A = arith.constant 0 : i32
    %add3A_0 = arith.addi %add3A, %arg0 : i32
    %c0_i32 = arith.constant 0 : i32
    %c0_i32_1 = arith.constant 0 : i32
    return %add3A_0, %c0_i32 : i32, i32
  }
  func.func @transform_2(%arg0: i32) -> (i32, i32) {
    %c0_i32 = arith.constant 0 : i32
    %c0_i32_0 = arith.constant 0 : i32
    %c0_i32_1 = arith.constant 0 : i32
    return %c0_i32, %c0_i32_0 : i32, i32
  }
  func.func @transform_3(%arg0: i32) -> (i32, i32) {
    %c0_i32 = arith.constant 0 : i32
    %c0_i32_0 = arith.constant 0 : i32
    return %arg0, %c0_i32 : i32, i32
  }
}

</mosaic_0001>

<sc_bundles>
// kernel: kernel.11.cloned.1.call-start
scs
__scs_entry_jumppad:
0x0: {  	(pc) =	sbr.rel $0x88, $3  }
0x1: {  	(tag) =	ssettag $0x0;
	lr =	simm.s32 $0x1  }
0x2: {  	[smem:$0x3F9E] =	sst lr;
	_ =	strace $0xD0000000  }
0x3: {  	_ = 	snop  }
0x4: {  	_ = 	snop  }
0x5: {  	_ = 	snop  }
0x6: {  	_ = 	snop  }
0x7: {  	_ = 	snop  }
__scs_overlays_trampoline_lowered:
0x8: {  	[smem:$0x3FAD] =	sst s0  }
0x9: {  	[smem:$0x3FAE] =	sst s1  }
0xa: {  	[smem:$0x3FAF] =	sst s2  }
0xb: {  	[smem:$0x3FB0] =	sst s3  }
0xc: {  	[smem:$0x3FB1] =	sst s4  }
0xd: {  	[smem:$0x3FB2] =	sst s5  }
0xe: {  	[smem:$0x3FB3] =	sst s6  }
0xf: {  	[smem:$0x3FB4] =	sst s7  }
0x10: {  	[smem:$0x3FB5] =	sst s8  }
0x11: {  	[smem:$0x3FB6] =	sst s9;
	s0 =	simm.s32 @!p0 $0x0  }
0x12: {  	s1 =	sld [smem:$0x3F9C];
	s0 =	simm.s32 @p0 $0x1  }
0x13: {  	[smem:$0x3FB7] =	sst s0;
	s0 =	simm.s32 @!p1 $0x0  }
0x14: {  	s2 =	sld [smem:$0x3F9B];
	s0 =	simm.s32 @p1 $0x1  }
0x15: {  	[smem:$0x3FB8] =	sst s0;
	s0 =	simm.s32 @!p2 $0x0  }
0x16: {  	s3 =	sld [smem:$0x3FDB];
	s0 =	simm.s32 @p2 $0x1  }
0x17: {  	s4 =	simm.s32 $0x1BF5;
	[smem:$0x3FBA] =	sst s0  }
0x18: {  	s0 =	sld [smem:$0x3F9D];
	_ =	swait.ge [sflag:s4], $0x0  }
0x19: {  	s7 =	sld [smem:$0x3F9E]  }
0x1a: {  	s8 =	sadd.s32 $0xFFFFE003, lr  }
0x1b: {  	s9 =	sadd.s32 $0xFFFFFEF7, lr;
	s5 =	simm.s32 $0xFFFFFFFF;
	p2 =	slt.u32 s8, $0xFFFFF086  }
0x1c: {  	p1 =	slt.u32 s9, $0xF7A;
	s5 =	simm.s32 @!p2 $0x0  }
0x1d: {  	s5 =	simm.s32 @p1 $0x1;
	p0 =	seq.s32 s7, s2  }
0x1e: {  	s7 =	smul.u32 @!p0 $0xF7A, s2;
	p2 =	seq.s32 @!p0 s5, $0x0  }
0x1f: {  	s9 =	smul.u32 $0xF7A, s1;
	s8 =	simm.s32 @!p0 $0x1BF5;
	p2 =	por !p2, p0  }
0x20: {  	[sflag:s8] =	ssyncset.s32 @!p0 $0xFFFFF086;
	s6 =	sadd.s32 @!p0 s3, s7;
	s7 =	simm.s32 @!p0 $0x108  }
0x21: {  	s3 =	sadd.s32 s3, s9;
	s6 =	sadd.s32 @!p0 $0x88, s6;
	s7 =	simm.s32 @p2 $0x1082  }
0x22: {  	[simem:s7], [sflag:s8] =	dma.local @!p0 [hbm:s6], $0xF7A  }
0x23: {  	s9 =	sor.u32 $0xD0000000, s2;
	s6 =	simm.s32 $0x108;
	_ =	swait.ge @!p0 [sflag:s8], $0x0  }
0x24: {  	s3 =	sadd.s32 $0x88, s3;
	s6 =	simm.s32 @!p1 $0x1082;
	[sflag:s4] =	ssyncset.s32 $0xFFFFF086  }
0x25: {  	[simem:s6], [sflag:s4] =	dma.local [hbm:s3], $0xF7A  }
0x26: {  	[smem:$0x3F9E] =	sst s1;
	(tag) =	ssettag s2;
	_ =	strace s9  }
0x27: {  	s1 =	sld [smem:$0x3FAE]  }
0x28: {  	s2 =	sld [smem:$0x3FAF]  }
0x29: {  	s4 =	sld [smem:$0x3FB1]  }
0x2a: {  	p0 =	seq.s32 s5, $0x0;
	s5 =	sld [smem:$0x3FB2]  }
0x2b: {  	s6 =	sld [smem:$0x3FB3]  }
0x2c: {  	s7 =	sld [smem:$0x3FB4]  }
0x2d: {  	s3 =	simm.s32 $0x108;
	s8 =	sld [smem:$0x3FB5]  }
0x2e: {  	s3 =	simm.s32 @!p0 $0x1082;
	s9 =	sld [smem:$0x3FB6]  }
0x2f: {  	lr =	sadd.s32 s0, s3;
	s0 =	sld [smem:$0x3FAD]  }
0x30: {  	s3 =	sld [smem:$0x3FB0]  }
0x31: {  	[smem:$0x3FB9] =	sst s10  }
0x32: {  	s10 =	sld [smem:$0x3FB7];
	_ =	sdelay $0x3  }
0x33: {  	p0 =	seq.s32 s10, $0x1;
	s10 =	sld [smem:$0x3FB9];
	_ =	sdelay $0x3  }
0x34: {  	[smem:$0x3FB9] =	sst s10  }
0x35: {  	s10 =	sld [smem:$0x3FB8];
	_ =	sdelay $0x3  }
0x36: {  	p1 =	seq.s32 s10, $0x1;
	s10 =	sld [smem:$0x3FB9];
	_ =	sdelay $0x3  }
0x37: {  	[smem:$0x3FB9] =	sst s10  }
0x38: {  	s10 =	sld [smem:$0x3FBA]  }
0x39: {  	_ = 	snop;
	(pc) =	sbr.ind lr, $3  }
0x3a: {  	_ = 	snop  }
0x3b: {  	_ = 	snop  }
0x3c: {  	p2 =	seq.s32 s10, $0x1;
	s10 =	sld [smem:$0x3FB9]  }
0x3d: {  	_ =	shalt  }
0x3e: {  	_ =	shalt  }
0x3f: {  	_ =	shalt  }
0x40: {  	_ =	shalt  }
0x41: {  	_ =	shalt  }
0x42: {  	_ =	shalt  }
0x43: {  	_ =	shalt  }
0x44: {  	_ =	shalt  }
0x45: {  	_ =	shalt  }
0x46: {  	_ =	shalt  }
0x47: {  	_ =	shalt  }
0x48: {  	_ =	shalt  }
0x49: {  	_ =	shalt  }
0x4a: {  	_ =	shalt  }
0x4b: {  	_ =	shalt  }
0x4c: {  	_ =	shalt  }
0x4d: {  	_ =	shalt  }
0x4e: {  	_ =	shalt  }
0x4f: {  	_ =	shalt  }
0x50: {  	_ =	shalt  }
0x51: {  	_ =	shalt  }
0x52: {  	_ =	shalt  }
0x53: {  	_ =	shalt  }
0x54: {  	_ =	shalt  }
0x55: {  	_ =	shalt  }
0x56: {  	_ =	shalt  }
0x57: {  	_ =	shalt  }
0x58: {  	_ =	shalt  }
0x59: {  	_ =	shalt  }
0x5a: {  	_ =	shalt  }
0x5b: {  	_ =	shalt  }
0x5c: {  	_ =	shalt  }
0x5d: {  	_ =	shalt  }
0x5e: {  	_ =	shalt  }
0x5f: {  	_ =	shalt  }
0x60: {  	_ =	shalt  }
0x61: {  	_ =	shalt  }
0x62: {  	_ =	shalt  }
0x63: {  	_ =	shalt  }
0x64: {  	_ =	shalt  }
0x65: {  	_ =	shalt  }
0x66: {  	_ =	shalt  }
0x67: {  	_ =	shalt  }
0x68: {  	_ =	shalt  }
0x69: {  	_ =	shalt  }
0x6a: {  	_ =	shalt  }
0x6b: {  	_ =	shalt  }
0x6c: {  	_ =	shalt  }
0x6d: {  	_ =	shalt  }
0x6e: {  	_ =	shalt  }
0x6f: {  	_ =	shalt  }
0x70: {  	_ =	shalt  }
0x71: {  	_ =	shalt  }
0x72: {  	_ =	shalt  }
0x73: {  	_ =	shalt  }
0x74: {  	_ =	shalt  }
0x75: {  	_ =	shalt  }
0x76: {  	_ =	shalt  }
0x77: {  	_ =	shalt  }
0x78: {  	_ =	shalt  }
0x79: {  	_ =	shalt  }
0x7a: {  	_ =	shalt  }
0x7b: {  	_ =	shalt  }
0x7c: {  	_ =	shalt  }
0x7d: {  	_ =	shalt  }
0x7e: {  	_ =	shalt  }
0x7f: {  	_ =	shalt  }
0x80: {  	_ =	shalt  }
0x81: {  	_ =	shalt  }
0x82: {  	_ =	shalt  }
0x83: {  	_ =	shalt  }
0x84: {  	_ =	shalt  }
0x85: {  	_ =	shalt  }
0x86: {  	_ =	shalt  }
0x87: {  	_ =	shalt  }
.Lfunc_end0:
.L_simem_size_0:
called_computation.1_lowered:
.L_overlay_start_0:
0x88: {  	s2 =	sld [smem:$0x3FD9]  }
0x89: {  	s3 =	sld [smem:$0x3FFE];
	_ =	sdelay $0x1  }
0x8a: {  	s1 =	srdreg.scid  }
0x8b: {  	s0 =	sand.u32 $0x1, s1  }
0x8c: {  	s15 =	sshll.u32 s0, $0xA;
	s2 =	sadd.s32 s3, s2  }
0x8d: {  	s2 =	sadd.s32 s2, s15  }
0x8e: {  	[smem:$0x3FC5] =	sst s2  }
0x8f: {  	_ = 	snop  }
0x90: {  	s2 =	sld [smem:$0x3FD0];
	_ =	sdelay $0x2  }
0x91: {  	s16 =	simm.s32 $0xC;
	s4 =	simm.s32 $0x10  }
0x92: {  	[smem:s4], [sflag:s16] =	dma.local [hbm:s2], $0x1  }
0x93: {  	_ =	swait.eq [sflag:s16], $0x1  }
0x94: {  	[sflag:s16] =	ssyncset.done $0x0  }
0x95: {  	[sflag:s16] =	ssyncadd.s32 $0xFFFFFFFF  }
0x96: {  	s17 =	sld [smem:$0x10];
	(tm) =	ssettm $0x1  }
0x97: {  	s18 =	sld [smem:$0x3FFB];
	_ =	sdelay $0x3  }
0x98: {  	_ =	strace s18  }
0x99: {  	s2 =	sld [smem:$0x3FFC];
	_ =	sdelay $0x3  }
0x9a: {  	_ =	strace s2  }
0x9b: {  	s2 =	sld [smem:$0x3FFD];
	_ =	sdelay $0x3  }
0x9c: {  	_ =	strace s2  }
0x9d: {  	_ =	strace $0x8FFFFFFF  }
0x9e: {  	s19 =	sld [smem:$0x3FDB];
	_ =	sdelay $0x1  }
0x9f: {  	s20 =	simm.s32 $_scs_section_size  }
0xa0: {  	s5 =	simm.s32 $_size__tile_overlayer_lowered;
	s6 =	simm.s32 $_tile_overlayer_lowered  }
0xa1: {  	s7 =	simm.s32 $0x1BFF;
	s21 =	sshll.u32 s6, $0x1;
	s4 =	sadd.s32 s20, s19  }
0xa2: {  	s22 =	simm.s32 $0x0;
	s5 =	sshll.u32 s5, $0x1;
	s6 =	sadd.s32 s21, s4  }
0xa3: {  	[timem:s22], [sflag:s7] =	dma.local [hbm:s6], s5  }
0xa4: {  	_ =	swait.ge [sflag:s7], s5  }
0xa5: {  	s5 =	ssub.s32 $0x0, s5;
	[sflag:s7] =	ssyncset.done $0x0  }
0xa6: {  	[sflag:s7] =	ssyncadd.s32 s5;
	_ =	sdelay $0x1  }
0xa7: {  	s23 =	simm.s32 $0x1B8B  }
0xa8: {  	_ =	swait.ge [sflag:s23], $0x1  }
0xa9: {  	[sflag:s23] =	ssyncset.done $0x0  }
0xaa: {  	[sflag:s23] =	ssyncadd.s32 $0xFFFFFFFF  }
0xab: {  	s5 =	sld [smem:$0x0]  }
0xac: {  	s6 =	sand.u32 $0xFFFFFFFE, s1  }
0xad: {  	p0 =	sne.s32 s1, s6  }
0xae: {  	s6 =	sshll.u32 @p0 s6, $0xE  }
0xaf: {  	s6 =	sadd.s32 @p0 $0x11B8D, s6;
	s7 =	sshll.u32 @p0 s5, $0x11  }
0xb0: {  	s6 =	sor.u32 @p0 s7, s6  }
0xb1: {  	[sflag:s6] =	ssyncadd.remote.s32 @p0 $0x1;
	_ =	sdelay $0x1  }
0xb2: {  	s6 =	simm.s32 @p0 $0x1B8D  }
0xb3: {  	_ =	swait.eq @p0 [sflag:s6], $0x1  }
0xb4: {  	[sflag:s6] =	ssyncadd.s32 @p0 $0xFFFFFFFF  }
0xb5: {  	s7 =	sshll.u32 @!p0 s1, $0xE  }
0xb6: {  	s7 =	sor.u32 @!p0 $0x4000, s7;
	s6 =	simm.s32 @!p0 $0x1B8D  }
0xb7: {  	s5 =	sshll.u32 @!p0 s5, $0x11;
	s7 =	sadd.s32 @!p0 $0x11B8D, s7;
	_ =	swait.eq @!p0 [sflag:s6], $0x1  }
0xb8: {  	s5 =	sor.u32 @!p0 s5, s7;
	[sflag:s6] =	ssyncadd.s32 @!p0 $0xFFFFFFFF  }
0xb9: {  	s25 =	simm.s32 $0x1B8E;
	s24 =	sld [smem:$0x3FFE];
	[sflag:s5] =	ssyncadd.remote.s32 @!p0 $0x1  }
0xba: {  	s26 =	simm.s32 $execute0_lowered;
	[smem:$0x3FD2] =	sst s25  }
0xbb: {  	s6 =	sshll.u32 s26, $0x1;
	_ =	strace $0x80000049;
	[dreg:$0x1] =	wrdreg $0xFFFFFFFF  }
0xbc: {  	s28 =	simm.s32 $_size_execute0_lowered;
	s4 =	sadd.s32 s4, s6;
	[dreg:$0x0] =	wrdreg $0x0  }
0xbd: {  	s6 =	sshll.u32 s28, $0x1;
	[dreg:$0x2] =	wrdreg s4  }
0xbe: {  	[dreg:$0x3] =	wrdreg s6  }
0xbf: {  	[dreg:$0x4] =	wrdreg $0xC0  }
0xc0: {  	_ =	task [dreg:s22], $0x5FFFF  }
0xc1: {  	[dreg:$0x1] =	wrdreg $0xFFFFFFFF  }
0xc2: {  	[dreg:$0x0] =	wrdreg $0x60  }
0xc3: {  	[dreg:$0x2] =	wrdreg s24  }
0xc4: {  	[dreg:$0x3] =	wrdreg s17  }
0xc5: {  	[dreg:$0x4] =	wrdreg $0xA  }
0xc6: {  	_ =	task.clear_ibuf [dreg:s22], $0x5FFFF;
	_ =	strace $0x90000049  }
0xc7: {  	s29 =	simm.s32 $0xA;
	_ =	strace $0x8000004B  }
0xc8: {  	_ =	swait.ge [sflag:s29], $0x1  }
0xc9: {  	[sflag:s29] =	ssyncadd.s32 $0xFFFFFFFF  }
0xca: {  	_ =	strace $0x9000004B  }
0xcb: {  	_ =	sfence  }
0xcc: {  	s30 =	sld [smem:$0x0];
	_ =	sdelay $0x2  }
0xcd: {  	s31 =	sshll.u32 s1, $0xD;
	s1 =	sshrl.u32 s1, $0x2  }
0xce: {  	s4 =	sand.u32 $0x4000, s31;
	s1 =	sadd.s32 s1, s30  }
0xcf: {  	s0 =	sor.u32 s4, s0;
	s1 =	sshll.u32 s1, $0x11  }
0xd0: {  	s0 =	sor.u32 s1, s0  }
0xd1: {  	s0 =	sadd.s32 $0x8F2B, s0  }
0xd2: {  	[sflag:s0] =	ssyncadd.remote.s32 $0x1  }
0xd3: {  	_ =	sfence.sel $0xFFFF  }
0xd4: {  	[dreg:$0x0] =	wrdreg $0xFFFFFFFF;
	(pc) =	sbr.abs _section_cstart, $3  }
0xd5: {  	[dreg:$0x1] =	wrdreg $0xFFFFFFFF  }
0xd6: {  	_ =	task.clear_ibuf [dreg:s22], $0x2FFFF;
	_ =	strace $0x9FFFFFFF  }
0xd7: {  	(tm) =	ssettm $0x7FFFFFFF  }
tec
execute0_lowered:
.L_overlay_start_1:
0x0: {  	(tag) =	ssettag $0x1  }
0x1: {  	s5 =	rddreg [dreg:$0x0]  }
0x2: {  	s6 =	rddreg [dreg:$0x1]  }
0x3: {  	s0 =	rddreg [dreg:$0x2];
	s3 =	srdreg.scid  }
0x4: {  	s2 =	simm.s32 $0x0;
	s1 =	stileid.u32;
	s11 =	simm.s32 $0x0  }
0x5: {  	s4 =	sand.u32 $0x1, s3;
	[smem:$0x7FF] =	sst s2;
	s30 =	sshll.u32 s1, $0x7  }
0x6: {  	s7 =	sshll.u32 s4, $0x6;
	_ =	strace $0x8000004A;
	s31 =	ssub.s32 $0x2, s4  }
0x7: {  	s4 =	sadd.s32 $0x4600, s5;
	s3 =	sor.u32 s7, s30;
	s9 =	sshrl.u32 s31, $0x1  }
0x8: {  	s8 =	sshrl.u32 s3, $0x3;
	s7 =	ssub.s32 s31, s9;
	s9 =	simm.s32 $0x880  }
0x9: {  	s10 =	sadd.s32 s8, s5;
	s5 =	sadd.s32 s6, s8;
	s7 =	smax.u32 s7, $0x1  }
0xa: {  	v0 =	vlaneseq.u32;
	s8 =	simm.s32 $0x1;
	s6 =	sadd.s32 $0xC600, s10;
	s10 =	simm.s32 $0x900  }
.LBB2_1:
0xb: {  	s12 =	simm.s32 $0x0  }
.LBB2_2:
0xc: {  	s13 =	sshll.u32 s12, $0x4  }
0xd: {  	s14 =	sadd.s32 s3, s13  }
0xe: {  	s14 =	sshll.u32 s14, $0x4  }
0xf: {  	s15 =	simm.s32 $0x0;
	s14 =	sadd.s32 s4, s14  }
0x10: {  	[tilespmem:s15], [sflag:$0x1] =	stream.linear.gather [hbm4b:s14+s15], $0x800, $0x38;
	[tilespmem:$0x980] =	vst v63  }
0x11: {  	_ =	swait.ge [sflag:s8], $0x800  }
0x12: {  	[sflag:s8] =	ssyncset.done $0x0  }
0x13: {  	s31 =	simm.s32 $0x20;
	[sflag:s8] =	ssyncadd.s32 $0xFFFFF800  }
0x14: {  	v1 =	vld [tilespmem:s31+$0xFFFFFFE0]  }
0x15: {  	v2 =	vld [tilespmem:s31+$0xFFFFFFF0]  }
0x16: {  	v3 =	vld [tilespmem:s31+$0x0]  }
0x17: {  	v4 =	vld [tilespmem:s31+$0x10];
	_ =	sdelay $0x2  }
0x18: {  	v1 =	vmax.f32 v1, v2  }
0x19: {  	v1 =	vmax.f32 v1, v3  }
0x1a: {  	v1 =	vmax.f32 v1, v4  }
0x1b: {  	[tilespmem:$0x800] =	vst v1  }
0x1c: {  	[tilespmem:$0x810] =	vst v1  }
0x1d: {  	v2 =	vld [tilespmem:$0x808];
	_ =	sdelay $0x4  }
0x1e: {  	v1 =	vmax.f32 v1, v2  }
0x1f: {  	[tilespmem:$0x800] =	vst v1  }
0x20: {  	[tilespmem:$0x810] =	vst v1  }
0x21: {  	v2 =	vld [tilespmem:$0x804];
	_ =	sdelay $0x4  }
0x22: {  	v1 =	vmax.f32 v1, v2  }
0x23: {  	[tilespmem:$0x800] =	vst v1  }
0x24: {  	[tilespmem:$0x810] =	vst v1  }
0x25: {  	v2 =	vld [tilespmem:$0x802];
	_ =	sdelay $0x4  }
0x26: {  	v2 =	vmax.f32 v1, v2  }
0x27: {  	[tilespmem:$0x800] =	vst v2  }
0x28: {  	[tilespmem:$0x810] =	vst v2  }
0x29: {  	v5 =	vmov s15;
	s15 =	simm.s32 $0xA0;
	v3 =	vld [tilespmem:$0x801]  }
0x2a: {  	s16 =	simm.s32 $0x2;
	vm0 =	veq.s32 v5, v0;
	s14 =	simm.s32 $0x1;
	v1 =	vimm.f32 $-1.000000000e+00;
	v4 =	vld [tilespmem:s15+$0xFFFFFFE0]  }
.LBB2_3:
0x2b: {  	p0 =	sne.s32 s16, $0xF;
	v5 =	vld [tilespmem:s15+$0xFFFFFFF0];
	s17 =	smov.u32 s16;
	s16 =	sadd.s32 $0x1, s16  }
0x2c: {  	v6 =	vld [tilespmem:s15+$0x0]  }
0x2d: {  	v7 =	vld [tilespmem:s15+$0x10]  }
0x2e: {  	v2 =	vmax.f32 v2, v3  }
0x2f: {  	v1 =	vsel vm0, v2, v1  }
0x30: {  	v2 =	vmax.f32 v4, v5  }
0x31: {  	v2 =	vmax.f32 v2, v6  }
0x32: {  	v2 =	vmax.f32 v2, v7  }
0x33: {  	[tilespmem:$0x800] =	vst v2  }
0x34: {  	[tilespmem:$0x810] =	vst v2  }
0x35: {  	v3 =	vld [tilespmem:$0x808];
	_ =	sdelay $0x4  }
0x36: {  	v2 =	vmax.f32 v2, v3  }
0x37: {  	[tilespmem:$0x800] =	vst v2  }
0x38: {  	[tilespmem:$0x810] =	vst v2  }
0x39: {  	v3 =	vld [tilespmem:$0x804];
	_ =	sdelay $0x4  }
0x3a: {  	v2 =	vmax.f32 v2, v3  }
0x3b: {  	[tilespmem:$0x800] =	vst v2  }
0x3c: {  	[tilespmem:$0x810] =	vst v2  }
0x3d: {  	v3 =	vld [tilespmem:$0x802];
	_ =	sdelay $0x4  }
.Ltmp0:
0x3e: {  	v2 =	vmax.f32 v2, v3;
	(pc) =	sbr.rel @p0 .LBB2_3-.Ltmp0, $4  }
0x3f: {  	[tilespmem:$0x800] =	vst v2  }
0x40: {  	[tilespmem:$0x810] =	vst v2  }
0x41: {  	s15 =	sadd.s32 $0x80, s15;
	v5 =	vmov s14;
	s14 =	smov.u32 s17;
	v3 =	vld [tilespmem:$0x801]  }
0x42: {  	vm0 =	veq.s32 v5, v0;
	v4 =	vld [tilespmem:s15+$0xFFFFFFE0]  }
0x43: {  	v5 =	vld [tilespmem:s15+$0xFFFFFFF0]  }
0x44: {  	v6 =	vld [tilespmem:s15+$0x0]  }
0x45: {  	v7 =	vld [tilespmem:s15+$0x10];
	_ =	sdelay $0x2  }
0x46: {  	v4 =	vmax.f32 v4, v5  }
0x47: {  	v4 =	vmax.f32 v4, v6  }
0x48: {  	v4 =	vmax.f32 v4, v7  }
0x49: {  	[tilespmem:$0x800] =	vst v4  }
0x4a: {  	[tilespmem:$0x810] =	vst v4  }
0x4b: {  	v60 =	vld [tilespmem:$0x808];
	_ =	sdelay $0x4  }
0x4c: {  	v4 =	vmax.f32 v4, v60  }
0x4d: {  	[tilespmem:$0x800] =	vst v4  }
0x4e: {  	[tilespmem:$0x810] =	vst v4  }
0x4f: {  	v61 =	vld [tilespmem:$0x804];
	_ =	sdelay $0x4  }
0x50: {  	v4 =	vmax.f32 v4, v61  }
0x51: {  	[tilespmem:$0x800] =	vst v4  }
0x52: {  	[tilespmem:$0x810] =	vst v4  }
0x53: {  	v62 =	vld [tilespmem:$0x802];
	_ =	sdelay $0x4  }
0x54: {  	v4 =	vmax.f32 v4, v62  }
0x55: {  	[tilespmem:$0x800] =	vst v4  }
0x56: {  	[tilespmem:$0x810] =	vst v4  }
0x57: {  	v63 =	vld [tilespmem:$0x801];
	_ =	sdelay $0x3  }
0x58: {  	v2 =	vmax.f32 v2, v3;
	v3 =	vmov s14  }
0x59: {  	v1 =	vsel vm0, v2, v1;
	vm15 =	veq.s32 v3, v0;
	v2 =	vmax.f32 v4, v63  }
0x5a: {  	v1 =	vsel vm15, v2, v1  }
0x5b: {  	v2 =	vtrunc.f32 v1  }
0x5c: {  	v2 =	vcvt.f32.s32 v2;
	_ =	sdelay $0x1  }
0x5d: {  	v2 =	vcvt.s32.f32 v2;
	_ =	sdelay $0x1  }
0x5e: {  	v1 =	vsub.f32 v1, v2;
	_ =	sdelay $0x1  }
0x5f: {  	s12 =	sadd.s32 $0x1, s12;
	v1 =	vmul.f32 $1.024000000e+03, v1  }
0x60: {  	p0 =	sne.s32 s12, $0x4  }
.Ltmp1:
0x61: {  	v1 =	vtrunc.f32 v1;
	(pc) =	sbr.rel @p0 .LBB2_2-.Ltmp1, $3  }
0x62: {  	v2 =	vmul.f32 $1.562500000e-02, v2;
	v1 =	vcvt.f32.s32 v1;
	_ =	sdelay $0x1  }
0x63: {  	[tilespmem:s13+$0x900] =	vst v2;
	v1 =	vsub.s32 $0x3FF, v1  }
0x64: {  	[tilespmem:s13+$0x880] =	vst v1  }
0x65: {  	[hbm4b:s5+s2] =	stream.linear.scatter [tilespmem:s9], [sflag:$0x1], $0x40, $0x38;
	[tilespmem:$0x980] =	vst v63  }
0x66: {  	s11 =	sadd.s32 $0x1, s11;
	_ =	swait.ge [sflag:s8], $0x40  }
0x67: {  	p0 =	sne.s32 s11, s7;
	[sflag:s8] =	ssyncset.done $0x0  }
.Ltmp2:
0x68: {  	[sflag:s8] =	ssyncadd.s32 $0xFFFFFFC0;
	(pc) =	sbr.rel @p0 .LBB2_1-.Ltmp2, $4  }
0x69: {  	[hbm4b:s6+s2] =	stream.linear.scatter [tilespmem:s10], [sflag:$0x1], $0x40, $0x38;
	[tilespmem:$0x980] =	vst v63  }
0x6a: {  	_ =	swait.ge [sflag:s8], $0x40  }
0x6b: {  	[sflag:s8] =	ssyncset.done $0x0  }
0x6c: {  	[sflag:s8] =	ssyncadd.s32 $0xFFFFFFC0  }
0x6d: {  	_ =	sfence.sel $0x180000  }
0x6e: {  	[bflag:$0x0] =	sbarrier.arrive $0xFFFF  }
0x6f: {  	p0 =	sne.s32 s1, $0x0;
	_ =	strace $0x9000004A  }
0x70: {  	s0 =	sadd.s32 @!p0 $0x100000, s0;
	[bflag:$0x2] =	sbarrier.arrive $0xFFFF  }
0x71: {  	[sflag:s0] =	ssyncadd.tile.s32 @!p0 $0x1;
	_ =	shalt  }
.Lfunc_end2:
_tile_overlayer_lowered:
.L_overlay_start_2:
0x72: {  	(tag) =	ssettag $0x2  }
0x73: {  	s0 =	rddreg [dreg:$0x0];
	s2 =	stileid.u32  }
0x74: {  	s1 =	rddreg [dreg:$0x1];
	p0 =	sne.s32 s2, $0x0  }
0x75: {  	s3 =	rddreg [dreg:$0x2];
	[bflag:$0x3] =	sbarrier.arrive $0xFFFF;
	s2 =	simm.s32 @!p0 $0x1C01  }
0x76: {  	[timem:s3], [sflag:s2] =	dma.local @!p0 [hbm:s0], s1  }
0x77: {  	s0 =	simm.s32 @!p0 $0x1  }
0x78: {  	_ =	swait.ge @!p0 [sflag:s0], s1  }
0x79: {  	s1 =	ssub.s32 @!p0 $0x0, s1;
	[sflag:s0] =	ssyncset.done @!p0 $0x0  }
0x7a: {  	[sflag:s0] =	ssyncadd.s32 @!p0 s1  }
0x7b: {  	[bflag:$0x3] =	sbarrier.arrive $0xFFFF  }
0x7c: {  	_ =	shalt  }

// kernel: kernel.14.cloned.1.call-start
scs
__scs_entry_jumppad:
0x0: {  	(pc) =	sbr.rel $0x88, $3  }
0x1: {  	(tag) =	ssettag $0x0;
	lr =	simm.s32 $0x1  }
0x2: {  	[smem:$0x3F9E] =	sst lr;
	_ =	strace $0xD0000000  }
0x3: {  	_ = 	snop  }
0x4: {  	_ = 	snop  }
0x5: {  	_ = 	snop  }
0x6: {  	_ = 	snop  }
0x7: {  	_ = 	snop  }
__scs_overlays_trampoline_lowered:
0x8: {  	[smem:$0x3FAD] =	sst s0  }
0x9: {  	[smem:$0x3FAE] =	sst s1  }
0xa: {  	[smem:$0x3FAF] =	sst s2  }
0xb: {  	[smem:$0x3FB0] =	sst s3  }
0xc: {  	[smem:$0x3FB1] =	sst s4  }
0xd: {  	[smem:$0x3FB2] =	sst s5  }
0xe: {  	[smem:$0x3FB3] =	sst s6  }
0xf: {  	[smem:$0x3FB4] =	sst s7  }
0x10: {  	[smem:$0x3FB5] =	sst s8  }
0x11: {  	[smem:$0x3FB6] =	sst s9;
	s0 =	simm.s32 @!p0 $0x0  }
0x12: {  	s1 =	sld [smem:$0x3F9C];
	s0 =	simm.s32 @p0 $0x1  }
0x13: {  	[smem:$0x3FB7] =	sst s0;
	s0 =	simm.s32 @!p1 $0x0  }
0x14: {  	s2 =	sld [smem:$0x3F9B];
	s0 =	simm.s32 @p1 $0x1  }
0x15: {  	[smem:$0x3FB8] =	sst s0;
	s0 =	simm.s32 @!p2 $0x0  }
0x16: {  	s3 =	sld [smem:$0x3FDB];
	s0 =	simm.s32 @p2 $0x1  }
0x17: {  	s4 =	simm.s32 $0x1BF5;
	[smem:$0x3FBA] =	sst s0  }
0x18: {  	s0 =	sld [smem:$0x3F9D];
	_ =	swait.ge [sflag:s4], $0x0  }
0x19: {  	s7 =	sld [smem:$0x3F9E]  }
0x1a: {  	s8 =	sadd.s32 $0xFFFFE003, lr  }
0x1b: {  	s9 =	sadd.s32 $0xFFFFFEF7, lr;
	s5 =	simm.s32 $0xFFFFFFFF;
	p2 =	slt.u32 s8, $0xFFFFF086  }
0x1c: {  	p1 =	slt.u32 s9, $0xF7A;
	s5 =	simm.s32 @!p2 $0x0  }
0x1d: {  	s5 =	simm.s32 @p1 $0x1;
	p0 =	seq.s32 s7, s2  }
0x1e: {  	s7 =	smul.u32 @!p0 $0xF7A, s2;
	p2 =	seq.s32 @!p0 s5, $0x0  }
0x1f: {  	s9 =	smul.u32 $0xF7A, s1;
	s8 =	simm.s32 @!p0 $0x1BF5;
	p2 =	por !p2, p0  }
0x20: {  	[sflag:s8] =	ssyncset.s32 @!p0 $0xFFFFF086;
	s6 =	sadd.s32 @!p0 s3, s7;
	s7 =	simm.s32 @!p0 $0x108  }
0x21: {  	s3 =	sadd.s32 s3, s9;
	s6 =	sadd.s32 @!p0 $0x88, s6;
	s7 =	simm.s32 @p2 $0x1082  }
0x22: {  	[simem:s7], [sflag:s8] =	dma.local @!p0 [hbm:s6], $0xF7A  }
0x23: {  	s9 =	sor.u32 $0xD0000000, s2;
	s6 =	simm.s32 $0x108;
	_ =	swait.ge @!p0 [sflag:s8], $0x0  }
0x24: {  	s3 =	sadd.s32 $0x88, s3;
	s6 =	simm.s32 @!p1 $0x1082;
	[sflag:s4] =	ssyncset.s32 $0xFFFFF086  }
0x25: {  	[simem:s6], [sflag:s4] =	dma.local [hbm:s3], $0xF7A  }
0x26: {  	[smem:$0x3F9E] =	sst s1;
	(tag) =	ssettag s2;
	_ =	strace s9  }
0x27: {  	s1 =	sld [smem:$0x3FAE]  }
0x28: {  	s2 =	sld [smem:$0x3FAF]  }
0x29: {  	s4 =	sld [smem:$0x3FB1]  }
0x2a: {  	p0 =	seq.s32 s5, $0x0;
	s5 =	sld [smem:$0x3FB2]  }
0x2b: {  	s6 =	sld [smem:$0x3FB3]  }
0x2c: {  	s7 =	sld [smem:$0x3FB4]  }
0x2d: {  	s3 =	simm.s32 $0x108;
	s8 =	sld [smem:$0x3FB5]  }
0x2e: {  	s3 =	simm.s32 @!p0 $0x1082;
	s9 =	sld [smem:$0x3FB6]  }
0x2f: {  	lr =	sadd.s32 s0, s3;
	s0 =	sld [smem:$0x3FAD]  }
0x30: {  	s3 =	sld [smem:$0x3FB0]  }
0x31: {  	[smem:$0x3FB9] =	sst s10  }
0x32: {  	s10 =	sld [smem:$0x3FB7];
	_ =	sdelay $0x3  }
0x33: {  	p0 =	seq.s32 s10, $0x1;
	s10 =	sld [smem:$0x3FB9];
	_ =	sdelay $0x3  }
0x34: {  	[smem:$0x3FB9] =	sst s10  }
0x35: {  	s10 =	sld [smem:$0x3FB8];
	_ =	sdelay $0x3  }
0x36: {  	p1 =	seq.s32 s10, $0x1;
	s10 =	sld [smem:$0x3FB9];
	_ =	sdelay $0x3  }
0x37: {  	[smem:$0x3FB9] =	sst s10  }
0x38: {  	s10 =	sld [smem:$0x3FBA]  }
0x39: {  	_ = 	snop;
	(pc) =	sbr.ind lr, $3  }
0x3a: {  	_ = 	snop  }
0x3b: {  	_ = 	snop  }
0x3c: {  	p2 =	seq.s32 s10, $0x1;
	s10 =	sld [smem:$0x3FB9]  }
0x3d: {  	_ =	shalt  }
0x3e: {  	_ =	shalt  }
0x3f: {  	_ =	shalt  }
0x40: {  	_ =	shalt  }
0x41: {  	_ =	shalt  }
0x42: {  	_ =	shalt  }
0x43: {  	_ =	shalt  }
0x44: {  	_ =	shalt  }
0x45: {  	_ =	shalt  }
0x46: {  	_ =	shalt  }
0x47: {  	_ =	shalt  }
0x48: {  	_ =	shalt  }
0x49: {  	_ =	shalt  }
0x4a: {  	_ =	shalt  }
0x4b: {  	_ =	shalt  }
0x4c: {  	_ =	shalt  }
0x4d: {  	_ =	shalt  }
0x4e: {  	_ =	shalt  }
0x4f: {  	_ =	shalt  }
0x50: {  	_ =	shalt  }
0x51: {  	_ =	shalt  }
0x52: {  	_ =	shalt  }
0x53: {  	_ =	shalt  }
0x54: {  	_ =	shalt  }
0x55: {  	_ =	shalt  }
0x56: {  	_ =	shalt  }
0x57: {  	_ =	shalt  }
0x58: {  	_ =	shalt  }
0x59: {  	_ =	shalt  }
0x5a: {  	_ =	shalt  }
0x5b: {  	_ =	shalt  }
0x5c: {  	_ =	shalt  }
0x5d: {  	_ =	shalt  }
0x5e: {  	_ =	shalt  }
0x5f: {  	_ =	shalt  }
0x60: {  	_ =	shalt  }
0x61: {  	_ =	shalt  }
0x62: {  	_ =	shalt  }
0x63: {  	_ =	shalt  }
0x64: {  	_ =	shalt  }
0x65: {  	_ =	shalt  }
0x66: {  	_ =	shalt  }
0x67: {  	_ =	shalt  }
0x68: {  	_ =	shalt  }
0x69: {  	_ =	shalt  }
0x6a: {  	_ =	shalt  }
0x6b: {  	_ =	shalt  }
0x6c: {  	_ =	shalt  }
0x6d: {  	_ =	shalt  }
0x6e: {  	_ =	shalt  }
0x6f: {  	_ =	shalt  }
0x70: {  	_ =	shalt  }
0x71: {  	_ =	shalt  }
0x72: {  	_ =	shalt  }
0x73: {  	_ =	shalt  }
0x74: {  	_ =	shalt  }
0x75: {  	_ =	shalt  }
0x76: {  	_ =	shalt  }
0x77: {  	_ =	shalt  }
0x78: {  	_ =	shalt  }
0x79: {  	_ =	shalt  }
0x7a: {  	_ =	shalt  }
0x7b: {  	_ =	shalt  }
0x7c: {  	_ =	shalt  }
0x7d: {  	_ =	shalt  }
0x7e: {  	_ =	shalt  }
0x7f: {  	_ =	shalt  }
0x80: {  	_ =	shalt  }
0x81: {  	_ =	shalt  }
0x82: {  	_ =	shalt  }
0x83: {  	_ =	shalt  }
0x84: {  	_ =	shalt  }
0x85: {  	_ =	shalt  }
0x86: {  	_ =	shalt  }
0x87: {  	_ =	shalt  }
.Lfunc_end0:
.L_simem_size_0:
called_computation.2_lowered:
.L_overlay_start_0:
0x88: {  	s2 =	sld [smem:$0x3FD9]  }
0x89: {  	s3 =	sld [smem:$0x3FFE];
	_ =	sdelay $0x1  }
0x8a: {  	s1 =	srdreg.scid  }
0x8b: {  	s0 =	sand.u32 $0x1, s1  }
0x8c: {  	s16 =	sshll.u32 s0, $0xA;
	s2 =	sadd.s32 s3, s2  }
0x8d: {  	s2 =	sadd.s32 s2, s16  }
0x8e: {  	[smem:$0x3FC5] =	sst s2  }
0x8f: {  	_ = 	snop  }
0x90: {  	(tm) =	ssettm $0x1  }
0x91: {  	s17 =	sld [smem:$0x3FFB];
	_ =	sdelay $0x3  }
0x92: {  	_ =	strace s17  }
0x93: {  	s2 =	sld [smem:$0x3FFC];
	_ =	sdelay $0x3  }
0x94: {  	_ =	strace s2  }
0x95: {  	s2 =	sld [smem:$0x3FFD];
	_ =	sdelay $0x3  }
0x96: {  	_ =	strace s2  }
0x97: {  	_ =	strace $0x8FFFFFFF  }
0x98: {  	s18 =	sld [smem:$0x3FDB];
	_ =	sdelay $0x1  }
0x99: {  	s19 =	simm.s32 $_scs_section_size  }
0x9a: {  	s4 =	simm.s32 $_size__tile_overlayer_lowered;
	s5 =	simm.s32 $_tile_overlayer_lowered  }
0x9b: {  	s22 =	simm.s32 $0x1BFF;
	s21 =	sshll.u32 s5, $0x1;
	s2 =	sadd.s32 s19, s18  }
0x9c: {  	s6 =	simm.s32 $0x0;
	s20 =	sshll.u32 s4, $0x1;
	s4 =	sadd.s32 s21, s2  }
0x9d: {  	[timem:s6], [sflag:s22] =	dma.local [hbm:s4], s20  }
0x9e: {  	_ =	swait.ge [sflag:s22], s20  }
0x9f: {  	s3 =	ssub.s32 $0x0, s20;
	[sflag:s22] =	ssyncset.done $0x0  }
0xa0: {  	[sflag:s22] =	ssyncadd.s32 s3;
	_ =	sdelay $0x1  }
0xa1: {  	s23 =	simm.s32 $0x1B8B  }
0xa2: {  	_ =	swait.ge [sflag:s23], $0x1  }
0xa3: {  	[sflag:s23] =	ssyncset.done $0x0  }
0xa4: {  	s25 =	simm.s32 $0x1B8E;
	s24 =	sld [smem:$0x3FFE];
	[sflag:s23] =	ssyncadd.s32 $0xFFFFFFFF  }
0xa5: {  	s26 =	simm.s32 $execute0_lowered;
	[smem:$0x3FD2] =	sst s25  }
0xa6: {  	s4 =	sshll.u32 s26, $0x1;
	_ =	strace $0x80000046;
	[dreg:$0x1] =	wrdreg $0xFFFFFFFF  }
0xa7: {  	s28 =	simm.s32 $_size_execute0_lowered;
	s2 =	sadd.s32 s2, s4;
	[dreg:$0x0] =	wrdreg $0x0  }
0xa8: {  	s4 =	sshll.u32 s28, $0x1;
	[dreg:$0x2] =	wrdreg s2  }
0xa9: {  	[dreg:$0x3] =	wrdreg s4  }
0xaa: {  	[dreg:$0x4] =	wrdreg $0xC0  }
0xab: {  	_ =	task [dreg:s6], $0x5FFFF  }
0xac: {  	[dreg:$0x1] =	wrdreg $0xFFFFFFFF  }
0xad: {  	[dreg:$0x0] =	wrdreg $0x60  }
0xae: {  	[dreg:$0x2] =	wrdreg s24  }
0xaf: {  	[dreg:$0x3] =	wrdreg $0xB  }
0xb0: {  	_ =	task.clear_ibuf [dreg:s6], $0x4FFFF;
	_ =	strace $0x90000046  }
0xb1: {  	s29 =	simm.s32 $0xB;
	_ =	strace $0x80000048  }
0xb2: {  	_ =	swait.ge [sflag:s29], $0x1  }
0xb3: {  	[sflag:s29] =	ssyncadd.s32 $0xFFFFFFFF  }
0xb4: {  	_ =	strace $0x90000048  }
0xb5: {  	_ =	sfence  }
0xb6: {  	s30 =	sld [smem:$0x0];
	_ =	sdelay $0x2  }
0xb7: {  	s31 =	sshll.u32 s1, $0xD;
	s1 =	sshrl.u32 s1, $0x2  }
0xb8: {  	s3 =	sand.u32 $0x4000, s31;
	s1 =	sadd.s32 s1, s30  }
0xb9: {  	s0 =	sor.u32 s3, s0;
	s1 =	sshll.u32 s1, $0x11  }
0xba: {  	s0 =	sor.u32 s1, s0  }
0xbb: {  	s0 =	sadd.s32 $0x8F2B, s0  }
0xbc: {  	[sflag:s0] =	ssyncadd.remote.s32 $0x1  }
0xbd: {  	_ =	sfence.sel $0xFFFF  }
0xbe: {  	[dreg:$0x0] =	wrdreg $0xFFFFFFFF;
	(pc) =	sbr.abs _section_cstart, $3  }
0xbf: {  	[dreg:$0x1] =	wrdreg $0xFFFFFFFF  }
0xc0: {  	_ =	task.clear_ibuf [dreg:s6], $0x2FFFF;
	_ =	strace $0x9FFFFFFF  }
0xc1: {  	(tm) =	ssettm $0x7FFFFFFF  }
tec
execute0_lowered:
.L_overlay_start_1:
0x0: {  	(tag) =	ssettag $0x1  }
0x1: {  	s3 =	rddreg [dreg:$0x0]  }
0x2: {  	s0 =	rddreg [dreg:$0x1]  }
0x3: {  	s4 =	srdreg.scid;
	s2 =	simm.s32 $0x0;
	s1 =	stileid.u32  }
0x4: {  	s8 =	simm.s32 $0x880;
	s9 =	simm.s32 $0x900;
	s4 =	sand.u32 $0x1, s4  }
0x5: {  	[smem:$0x7FF] =	sst s2;
	s5 =	sshll.u32 s1, $0x5;
	s6 =	sshll.u32 s4, $0x4  }
0x6: {  	s10 =	simm.s32 $0x0;
	_ =	strace $0x80000047;
	s5 =	sor.u32 s6, s5  }
0x7: {  	s4 =	ssub.s32 $0x2, s4;
	s6 =	sshll.u32 s5, $0x4;
	s5 =	sshrl.u32 s5, $0x3  }
0x8: {  	s31 =	sshrl.u32 s4, $0x1;
	s6 =	sadd.s32 s6, s3;
	s5 =	sadd.s32 s5, s3  }
0x9: {  	s7 =	ssub.s32 s4, s31;
	s3 =	sadd.s32 $0x2200, s6;
	s4 =	sadd.s32 $0x4200, s5  }
0xa: {  	v0 =	vlaneseq.u32;
	s5 =	sadd.s32 $0x4400, s5;
	s6 =	smax.u32 s7, $0x1;
	s7 =	simm.s32 $0x1  }
.LBB2_1:
0xb: {  	[tilespmem:s2], [sflag:$0x1] =	stream.linear.gather [hbm4b:s3+s2], $0x800, $0x38;
	[tilespmem:$0x980] =	vst v63  }
0xc: {  	_ =	swait.ge [sflag:s7], $0x800  }
0xd: {  	[sflag:s7] =	ssyncset.done $0x0  }
0xe: {  	s11 =	simm.s32 $0x20;
	[sflag:s7] =	ssyncadd.s32 $0xFFFFF800  }
0xf: {  	v1 =	vld [tilespmem:s11+$0xFFFFFFE0]  }
0x10: {  	v2 =	vld [tilespmem:s11+$0xFFFFFFF0]  }
0x11: {  	v3 =	vld [tilespmem:s11+$0x0]  }
0x12: {  	v4 =	vld [tilespmem:s11+$0x10];
	_ =	sdelay $0x2  }
0x13: {  	v1 =	vmax.f32 v1, v2  }
0x14: {  	v1 =	vmax.f32 v1, v3  }
0x15: {  	v1 =	vmax.f32 v1, v4  }
0x16: {  	[tilespmem:$0x800] =	vst v1  }
0x17: {  	[tilespmem:$0x810] =	vst v1  }
0x18: {  	v2 =	vld [tilespmem:$0x808];
	_ =	sdelay $0x4  }
0x19: {  	v1 =	vmax.f32 v1, v2  }
0x1a: {  	[tilespmem:$0x800] =	vst v1  }
0x1b: {  	[tilespmem:$0x810] =	vst v1  }
0x1c: {  	v2 =	vld [tilespmem:$0x804];
	_ =	sdelay $0x4  }
0x1d: {  	v1 =	vmax.f32 v1, v2  }
0x1e: {  	[tilespmem:$0x800] =	vst v1  }
0x1f: {  	[tilespmem:$0x810] =	vst v1  }
0x20: {  	v2 =	vld [tilespmem:$0x802];
	_ =	sdelay $0x4  }
0x21: {  	v2 =	vmax.f32 v1, v2  }
0x22: {  	[tilespmem:$0x800] =	vst v2  }
0x23: {  	[tilespmem:$0x810] =	vst v2  }
0x24: {  	v5 =	vmov s2;
	s12 =	simm.s32 $0xA0;
	v3 =	vld [tilespmem:$0x801]  }
0x25: {  	s13 =	simm.s32 $0x2;
	vm0 =	veq.s32 v5, v0;
	s11 =	simm.s32 $0x1;
	v1 =	vimm.f32 $-1.000000000e+00;
	v4 =	vld [tilespmem:s12+$0xFFFFFFE0]  }
.LBB2_2:
0x26: {  	p0 =	sne.s32 s13, $0xF;
	v5 =	vld [tilespmem:s12+$0xFFFFFFF0];
	s14 =	smov.u32 s13;
	s13 =	sadd.s32 $0x1, s13  }
0x27: {  	v6 =	vld [tilespmem:s12+$0x0]  }
0x28: {  	v7 =	vld [tilespmem:s12+$0x10]  }
0x29: {  	v2 =	vmax.f32 v2, v3  }
0x2a: {  	v1 =	vsel vm0, v2, v1  }
0x2b: {  	v2 =	vmax.f32 v4, v5  }
0x2c: {  	v2 =	vmax.f32 v2, v6  }
0x2d: {  	v2 =	vmax.f32 v2, v7  }
0x2e: {  	[tilespmem:$0x800] =	vst v2  }
0x2f: {  	[tilespmem:$0x810] =	vst v2  }
0x30: {  	v3 =	vld [tilespmem:$0x808];
	_ =	sdelay $0x4  }
0x31: {  	v2 =	vmax.f32 v2, v3  }
0x32: {  	[tilespmem:$0x800] =	vst v2  }
0x33: {  	[tilespmem:$0x810] =	vst v2  }
0x34: {  	v3 =	vld [tilespmem:$0x804];
	_ =	sdelay $0x4  }
0x35: {  	v2 =	vmax.f32 v2, v3  }
0x36: {  	[tilespmem:$0x800] =	vst v2  }
0x37: {  	[tilespmem:$0x810] =	vst v2  }
0x38: {  	v3 =	vld [tilespmem:$0x802];
	_ =	sdelay $0x4  }
.Ltmp0:
0x39: {  	v2 =	vmax.f32 v2, v3;
	(pc) =	sbr.rel @p0 .LBB2_2-.Ltmp0, $4  }
0x3a: {  	[tilespmem:$0x800] =	vst v2  }
0x3b: {  	[tilespmem:$0x810] =	vst v2  }
0x3c: {  	s12 =	sadd.s32 $0x80, s12;
	v5 =	vmov s11;
	s11 =	smov.u32 s14;
	v3 =	vld [tilespmem:$0x801]  }
0x3d: {  	vm0 =	veq.s32 v5, v0;
	v4 =	vld [tilespmem:s12+$0xFFFFFFE0]  }
0x3e: {  	v5 =	vld [tilespmem:s12+$0xFFFFFFF0]  }
0x3f: {  	v6 =	vld [tilespmem:s12+$0x0]  }
0x40: {  	v7 =	vld [tilespmem:s12+$0x10];
	_ =	sdelay $0x2  }
0x41: {  	v4 =	vmax.f32 v4, v5  }
0x42: {  	v4 =	vmax.f32 v4, v6  }
0x43: {  	v4 =	vmax.f32 v4, v7  }
0x44: {  	[tilespmem:$0x800] =	vst v4  }
0x45: {  	[tilespmem:$0x810] =	vst v4  }
0x46: {  	v60 =	vld [tilespmem:$0x808];
	_ =	sdelay $0x4  }
0x47: {  	v4 =	vmax.f32 v4, v60  }
0x48: {  	[tilespmem:$0x800] =	vst v4  }
0x49: {  	[tilespmem:$0x810] =	vst v4  }
0x4a: {  	v61 =	vld [tilespmem:$0x804];
	_ =	sdelay $0x4  }
0x4b: {  	v4 =	vmax.f32 v4, v61  }
0x4c: {  	[tilespmem:$0x800] =	vst v4  }
0x4d: {  	[tilespmem:$0x810] =	vst v4  }
0x4e: {  	v62 =	vld [tilespmem:$0x802];
	_ =	sdelay $0x4  }
0x4f: {  	v4 =	vmax.f32 v4, v62  }
0x50: {  	[tilespmem:$0x800] =	vst v4  }
0x51: {  	[tilespmem:$0x810] =	vst v4  }
0x52: {  	v63 =	vld [tilespmem:$0x801];
	_ =	sdelay $0x3  }
0x53: {  	v2 =	vmax.f32 v2, v3;
	v3 =	vmov s11  }
0x54: {  	v1 =	vsel vm0, v2, v1;
	vm15 =	veq.s32 v3, v0;
	v2 =	vmax.f32 v4, v63  }
0x55: {  	v1 =	vsel vm15, v2, v1  }
0x56: {  	v2 =	vtrunc.f32 v1  }
0x57: {  	v2 =	vcvt.f32.s32 v2;
	_ =	sdelay $0x1  }
0x58: {  	v2 =	vcvt.s32.f32 v2;
	_ =	sdelay $0x1  }
0x59: {  	v1 =	vsub.f32 v1, v2;
	_ =	sdelay $0x1  }
0x5a: {  	v1 =	vmul.f32 $1.024000000e+03, v1;
	_ =	sdelay $0x1  }
0x5b: {  	v1 =	vtrunc.f32 v1  }
0x5c: {  	v2 =	vmul.f32 $1.562500000e-02, v2;
	v1 =	vcvt.f32.s32 v1;
	_ =	sdelay $0x1  }
0x5d: {  	[tilespmem:$0x900] =	vst v2;
	v1 =	vsub.s32 $0x3FF, v1  }
0x5e: {  	[tilespmem:$0x880] =	vst v1  }
0x5f: {  	[hbm4b:s4+s2] =	stream.linear.scatter [tilespmem:s8], [sflag:$0x1], $0x10, $0x38;
	[tilespmem:$0x980] =	vst v63  }
0x60: {  	s10 =	sadd.s32 $0x1, s10;
	_ =	swait.ge [sflag:s7], $0x10  }
0x61: {  	p0 =	sne.s32 s10, s6;
	[sflag:s7] =	ssyncset.done $0x0  }
.Ltmp1:
0x62: {  	[sflag:s7] =	ssyncadd.s32 $0xFFFFFFF0;
	(pc) =	sbr.rel @p0 .LBB2_1-.Ltmp1, $4  }
0x63: {  	[hbm4b:s5+s2] =	stream.linear.scatter [tilespmem:s9], [sflag:$0x1], $0x10, $0x38;
	[tilespmem:$0x980] =	vst v63  }
0x64: {  	_ =	swait.ge [sflag:s7], $0x10  }
0x65: {  	[sflag:s7] =	ssyncset.done $0x0  }
0x66: {  	[sflag:s7] =	ssyncadd.s32 $0xFFFFFFF0  }
0x67: {  	_ =	sfence.sel $0x180000  }
0x68: {  	[bflag:$0x0] =	sbarrier.arrive $0xFFFF  }
0x69: {  	p0 =	sne.s32 s1, $0x0;
	_ =	strace $0x90000047  }
0x6a: {  	s0 =	sadd.s32 @!p0 $0x100000, s0;
	[bflag:$0x2] =	sbarrier.arrive $0xFFFF  }
0x6b: {  	[sflag:s0] =	ssyncadd.tile.s32 @!p0 $0x1;
	_ =	shalt  }
.Lfunc_end2:
_tile_overlayer_lowered:
.L_overlay_start_2:
0x6c: {  	(tag) =	ssettag $0x2  }
0x6d: {  	s0 =	rddreg [dreg:$0x0];
	s2 =	stileid.u32  }
0x6e: {  	s1 =	rddreg [dreg:$0x1];
	p0 =	sne.s32 s2, $0x0  }
0x6f: {  	s3 =	rddreg [dreg:$0x2];
	[bflag:$0x3] =	sbarrier.arrive $0xFFFF;
	s2 =	simm.s32 @!p0 $0x1C01  }
0x70: {  	[timem:s3], [sflag:s2] =	dma.local @!p0 [hbm:s0], s1  }
0x71: {  	s0 =	simm.s32 @!p0 $0x1  }
0x72: {  	_ =	swait.ge @!p0 [sflag:s0], s1  }
0x73: {  	s1 =	ssub.s32 @!p0 $0x0, s1;
	[sflag:s0] =	ssyncset.done @!p0 $0x0  }
0x74: {  	[sflag:s0] =	ssyncadd.s32 @!p0 s1  }
0x75: {  	[bflag:$0x3] =	sbarrier.arrive $0xFFFF  }
0x76: {  	_ =	shalt  }

// kernel: kernel.8.cloned.1.call-start
scs
__scs_entry_jumppad:
0x0: {  	(pc) =	sbr.rel $0x88, $3  }
0x1: {  	(tag) =	ssettag $0x0;
	lr =	simm.s32 $0x1  }
0x2: {  	[smem:$0x3F9E] =	sst lr;
	_ =	strace $0xD0000000  }
0x3: {  	_ = 	snop  }
0x4: {  	_ = 	snop  }
0x5: {  	_ = 	snop  }
0x6: {  	_ = 	snop  }
0x7: {  	_ = 	snop  }
__scs_overlays_trampoline_lowered:
0x8: {  	[smem:$0x3FAD] =	sst s0  }
0x9: {  	[smem:$0x3FAE] =	sst s1  }
0xa: {  	[smem:$0x3FAF] =	sst s2  }
0xb: {  	[smem:$0x3FB0] =	sst s3  }
0xc: {  	[smem:$0x3FB1] =	sst s4  }
0xd: {  	[smem:$0x3FB2] =	sst s5  }
0xe: {  	[smem:$0x3FB3] =	sst s6  }
0xf: {  	[smem:$0x3FB4] =	sst s7  }
0x10: {  	[smem:$0x3FB5] =	sst s8  }
0x11: {  	[smem:$0x3FB6] =	sst s9;
	s0 =	simm.s32 @!p0 $0x0  }
0x12: {  	s1 =	sld [smem:$0x3F9C];
	s0 =	simm.s32 @p0 $0x1  }
0x13: {  	[smem:$0x3FB7] =	sst s0;
	s0 =	simm.s32 @!p1 $0x0  }
0x14: {  	s2 =	sld [smem:$0x3F9B];
	s0 =	simm.s32 @p1 $0x1  }
0x15: {  	[smem:$0x3FB8] =	sst s0;
	s0 =	simm.s32 @!p2 $0x0  }
0x16: {  	s3 =	sld [smem:$0x3FDB];
	s0 =	simm.s32 @p2 $0x1  }
0x17: {  	s4 =	simm.s32 $0x1BF5;
	[smem:$0x3FBA] =	sst s0  }
0x18: {  	s0 =	sld [smem:$0x3F9D];
	_ =	swait.ge [sflag:s4], $0x0  }
0x19: {  	s7 =	sld [smem:$0x3F9E]  }
0x1a: {  	s8 =	sadd.s32 $0xFFFFE003, lr  }
0x1b: {  	s9 =	sadd.s32 $0xFFFFFEF7, lr;
	s5 =	simm.s32 $0xFFFFFFFF;
	p2 =	slt.u32 s8, $0xFFFFF086  }
0x1c: {  	p1 =	slt.u32 s9, $0xF7A;
	s5 =	simm.s32 @!p2 $0x0  }
0x1d: {  	s5 =	simm.s32 @p1 $0x1;
	p0 =	seq.s32 s7, s2  }
0x1e: {  	s7 =	smul.u32 @!p0 $0xF7A, s2;
	p2 =	seq.s32 @!p0 s5, $0x0  }
0x1f: {  	s9 =	smul.u32 $0xF7A, s1;
	s8 =	simm.s32 @!p0 $0x1BF5;
	p2 =	por !p2, p0  }
0x20: {  	[sflag:s8] =	ssyncset.s32 @!p0 $0xFFFFF086;
	s6 =	sadd.s32 @!p0 s3, s7;
	s7 =	simm.s32 @!p0 $0x108  }
0x21: {  	s3 =	sadd.s32 s3, s9;
	s6 =	sadd.s32 @!p0 $0x88, s6;
	s7 =	simm.s32 @p2 $0x1082  }
0x22: {  	[simem:s7], [sflag:s8] =	dma.local @!p0 [hbm:s6], $0xF7A  }
0x23: {  	s9 =	sor.u32 $0xD0000000, s2;
	s6 =	simm.s32 $0x108;
	_ =	swait.ge @!p0 [sflag:s8], $0x0  }
0x24: {  	s3 =	sadd.s32 $0x88, s3;
	s6 =	simm.s32 @!p1 $0x1082;
	[sflag:s4] =	ssyncset.s32 $0xFFFFF086  }
0x25: {  	[simem:s6], [sflag:s4] =	dma.local [hbm:s3], $0xF7A  }
0x26: {  	[smem:$0x3F9E] =	sst s1;
	(tag) =	ssettag s2;
	_ =	strace s9  }
0x27: {  	s1 =	sld [smem:$0x3FAE]  }
0x28: {  	s2 =	sld [smem:$0x3FAF]  }
0x29: {  	s4 =	sld [smem:$0x3FB1]  }
0x2a: {  	p0 =	seq.s32 s5, $0x0;
	s5 =	sld [smem:$0x3FB2]  }
0x2b: {  	s6 =	sld [smem:$0x3FB3]  }
0x2c: {  	s7 =	sld [smem:$0x3FB4]  }
0x2d: {  	s3 =	simm.s32 $0x108;
	s8 =	sld [smem:$0x3FB5]  }
0x2e: {  	s3 =	simm.s32 @!p0 $0x1082;
	s9 =	sld [smem:$0x3FB6]  }
0x2f: {  	lr =	sadd.s32 s0, s3;
	s0 =	sld [smem:$0x3FAD]  }
0x30: {  	s3 =	sld [smem:$0x3FB0]  }
0x31: {  	[smem:$0x3FB9] =	sst s10  }
0x32: {  	s10 =	sld [smem:$0x3FB7];
	_ =	sdelay $0x3  }
0x33: {  	p0 =	seq.s32 s10, $0x1;
	s10 =	sld [smem:$0x3FB9];
	_ =	sdelay $0x3  }
0x34: {  	[smem:$0x3FB9] =	sst s10  }
0x35: {  	s10 =	sld [smem:$0x3FB8];
	_ =	sdelay $0x3  }
0x36: {  	p1 =	seq.s32 s10, $0x1;
	s10 =	sld [smem:$0x3FB9];
	_ =	sdelay $0x3  }
0x37: {  	[smem:$0x3FB9] =	sst s10  }
0x38: {  	s10 =	sld [smem:$0x3FBA]  }
0x39: {  	_ = 	snop;
	(pc) =	sbr.ind lr, $3  }
0x3a: {  	_ = 	snop  }
0x3b: {  	_ = 	snop  }
0x3c: {  	p2 =	seq.s32 s10, $0x1;
	s10 =	sld [smem:$0x3FB9]  }
0x3d: {  	_ =	shalt  }
0x3e: {  	_ =	shalt  }
0x3f: {  	_ =	shalt  }
0x40: {  	_ =	shalt  }
0x41: {  	_ =	shalt  }
0x42: {  	_ =	shalt  }
0x43: {  	_ =	shalt  }
0x44: {  	_ =	shalt  }
0x45: {  	_ =	shalt  }
0x46: {  	_ =	shalt  }
0x47: {  	_ =	shalt  }
0x48: {  	_ =	shalt  }
0x49: {  	_ =	shalt  }
0x4a: {  	_ =	shalt  }
0x4b: {  	_ =	shalt  }
0x4c: {  	_ =	shalt  }
0x4d: {  	_ =	shalt  }
0x4e: {  	_ =	shalt  }
0x4f: {  	_ =	shalt  }
0x50: {  	_ =	shalt  }
0x51: {  	_ =	shalt  }
0x52: {  	_ =	shalt  }
0x53: {  	_ =	shalt  }
0x54: {  	_ =	shalt  }
0x55: {  	_ =	shalt  }
0x56: {  	_ =	shalt  }
0x57: {  	_ =	shalt  }
0x58: {  	_ =	shalt  }
0x59: {  	_ =	shalt  }
0x5a: {  	_ =	shalt  }
0x5b: {  	_ =	shalt  }
0x5c: {  	_ =	shalt  }
0x5d: {  	_ =	shalt  }
0x5e: {  	_ =	shalt  }
0x5f: {  	_ =	shalt  }
0x60: {  	_ =	shalt  }
0x61: {  	_ =	shalt  }
0x62: {  	_ =	shalt  }
0x63: {  	_ =	shalt  }
0x64: {  	_ =	shalt  }
0x65: {  	_ =	shalt  }
0x66: {  	_ =	shalt  }
0x67: {  	_ =	shalt  }
0x68: {  	_ =	shalt  }
0x69: {  	_ =	shalt  }
0x6a: {  	_ =	shalt  }
0x6b: {  	_ =	shalt  }
0x6c: {  	_ =	shalt  }
0x6d: {  	_ =	shalt  }
0x6e: {  	_ =	shalt  }
0x6f: {  	_ =	shalt  }
0x70: {  	_ =	shalt  }
0x71: {  	_ =	shalt  }
0x72: {  	_ =	shalt  }
0x73: {  	_ =	shalt  }
0x74: {  	_ =	shalt  }
0x75: {  	_ =	shalt  }
0x76: {  	_ =	shalt  }
0x77: {  	_ =	shalt  }
0x78: {  	_ =	shalt  }
0x79: {  	_ =	shalt  }
0x7a: {  	_ =	shalt  }
0x7b: {  	_ =	shalt  }
0x7c: {  	_ =	shalt  }
0x7d: {  	_ =	shalt  }
0x7e: {  	_ =	shalt  }
0x7f: {  	_ =	shalt  }
0x80: {  	_ =	shalt  }
0x81: {  	_ =	shalt  }
0x82: {  	_ =	shalt  }
0x83: {  	_ =	shalt  }
0x84: {  	_ =	shalt  }
0x85: {  	_ =	shalt  }
0x86: {  	_ =	shalt  }
0x87: {  	_ =	shalt  }
.Lfunc_end0:
.L_simem_size_0:
called_computation_lowered:
.L_overlay_start_0:
0x88: {  	s2 =	sld [smem:$0x3FD9]  }
0x89: {  	s3 =	sld [smem:$0x3FFE];
	_ =	sdelay $0x1  }
0x8a: {  	s1 =	srdreg.scid  }
0x8b: {  	s0 =	sand.u32 $0x1, s1  }
0x8c: {  	s15 =	sshll.u32 s0, $0xA;
	s2 =	sadd.s32 s3, s2  }
0x8d: {  	s2 =	sadd.s32 s2, s15  }
0x8e: {  	[smem:$0x3FC5] =	sst s2  }
0x8f: {  	_ = 	snop  }
0x90: {  	s2 =	sld [smem:$0x3FD0];
	_ =	sdelay $0x2  }
0x91: {  	s16 =	simm.s32 $0xC;
	s4 =	simm.s32 $0x10  }
0x92: {  	[smem:s4], [sflag:s16] =	dma.local [hbm:s2], $0x1  }
0x93: {  	_ =	swait.eq [sflag:s16], $0x1  }
0x94: {  	[sflag:s16] =	ssyncset.done $0x0  }
0x95: {  	[sflag:s16] =	ssyncadd.s32 $0xFFFFFFFF  }
0x96: {  	s17 =	sld [smem:$0x11];
	(tm) =	ssettm $0x1  }
0x97: {  	s18 =	sld [smem:$0x3FFB];
	_ =	sdelay $0x3  }
0x98: {  	_ =	strace s18  }
0x99: {  	s2 =	sld [smem:$0x3FFC];
	_ =	sdelay $0x3  }
0x9a: {  	_ =	strace s2  }
0x9b: {  	s2 =	sld [smem:$0x3FFD];
	_ =	sdelay $0x3  }
0x9c: {  	_ =	strace s2  }
0x9d: {  	_ =	strace $0x8FFFFFFF  }
0x9e: {  	s19 =	sld [smem:$0x3FDB];
	_ =	sdelay $0x1  }
0x9f: {  	s20 =	simm.s32 $_scs_section_size  }
0xa0: {  	s5 =	simm.s32 $_size__tile_overlayer_lowered;
	s6 =	simm.s32 $_tile_overlayer_lowered  }
0xa1: {  	s7 =	simm.s32 $0x1BFF;
	s21 =	sshll.u32 s6, $0x1;
	s4 =	sadd.s32 s20, s19  }
0xa2: {  	s22 =	simm.s32 $0x0;
	s5 =	sshll.u32 s5, $0x1;
	s6 =	sadd.s32 s21, s4  }
0xa3: {  	[timem:s22], [sflag:s7] =	dma.local [hbm:s6], s5  }
0xa4: {  	_ =	swait.ge [sflag:s7], s5  }
0xa5: {  	s5 =	ssub.s32 $0x0, s5;
	[sflag:s7] =	ssyncset.done $0x0  }
0xa6: {  	[sflag:s7] =	ssyncadd.s32 s5;
	_ =	sdelay $0x1  }
0xa7: {  	s23 =	simm.s32 $0x1B8B  }
0xa8: {  	_ =	swait.ge [sflag:s23], $0x1  }
0xa9: {  	[sflag:s23] =	ssyncset.done $0x0  }
0xaa: {  	[sflag:s23] =	ssyncadd.s32 $0xFFFFFFFF  }
0xab: {  	s5 =	sld [smem:$0x0]  }
0xac: {  	s6 =	sand.u32 $0xFFFFFFFE, s1  }
0xad: {  	p0 =	sne.s32 s1, s6  }
0xae: {  	s6 =	sshll.u32 @p0 s6, $0xE  }
0xaf: {  	s6 =	sadd.s32 @p0 $0x11B8D, s6;
	s7 =	sshll.u32 @p0 s5, $0x11  }
0xb0: {  	s6 =	sor.u32 @p0 s7, s6  }
0xb1: {  	[sflag:s6] =	ssyncadd.remote.s32 @p0 $0x1;
	_ =	sdelay $0x1  }
0xb2: {  	s6 =	simm.s32 @p0 $0x1B8D  }
0xb3: {  	_ =	swait.eq @p0 [sflag:s6], $0x1  }
0xb4: {  	[sflag:s6] =	ssyncadd.s32 @p0 $0xFFFFFFFF  }
0xb5: {  	s7 =	sshll.u32 @!p0 s1, $0xE  }
0xb6: {  	s7 =	sor.u32 @!p0 $0x4000, s7;
	s6 =	simm.s32 @!p0 $0x1B8D  }
0xb7: {  	s5 =	sshll.u32 @!p0 s5, $0x11;
	s7 =	sadd.s32 @!p0 $0x11B8D, s7;
	_ =	swait.eq @!p0 [sflag:s6], $0x1  }
0xb8: {  	s5 =	sor.u32 @!p0 s5, s7;
	[sflag:s6] =	ssyncadd.s32 @!p0 $0xFFFFFFFF  }
0xb9: {  	s25 =	simm.s32 $0x1B8E;
	s24 =	sld [smem:$0x3FFE];
	[sflag:s5] =	ssyncadd.remote.s32 @!p0 $0x1  }
0xba: {  	s26 =	simm.s32 $execute0_lowered;
	[smem:$0x3FD2] =	sst s25  }
0xbb: {  	s6 =	sshll.u32 s26, $0x1;
	_ =	strace $0x8000004C;
	[dreg:$0x1] =	wrdreg $0xFFFFFFFF  }
0xbc: {  	s28 =	simm.s32 $_size_execute0_lowered;
	s4 =	sadd.s32 s4, s6;
	[dreg:$0x0] =	wrdreg $0x0  }
0xbd: {  	s6 =	sshll.u32 s28, $0x1;
	[dreg:$0x2] =	wrdreg s4  }
0xbe: {  	[dreg:$0x3] =	wrdreg s6  }
0xbf: {  	[dreg:$0x4] =	wrdreg $0xC0  }
0xc0: {  	_ =	task [dreg:s22], $0x5FFFF  }
0xc1: {  	[dreg:$0x1] =	wrdreg $0xFFFFFFFF  }
0xc2: {  	[dreg:$0x0] =	wrdreg $0x60  }
0xc3: {  	[dreg:$0x2] =	wrdreg s24  }
0xc4: {  	[dreg:$0x3] =	wrdreg s17  }
0xc5: {  	[dreg:$0x4] =	wrdreg $0x9  }
0xc6: {  	_ =	task.clear_ibuf [dreg:s22], $0x5FFFF;
	_ =	strace $0x9000004C  }
0xc7: {  	s29 =	simm.s32 $0x9;
	_ =	strace $0x8000004E  }
0xc8: {  	_ =	swait.ge [sflag:s29], $0x1  }
0xc9: {  	[sflag:s29] =	ssyncadd.s32 $0xFFFFFFFF  }
0xca: {  	_ =	strace $0x9000004E  }
0xcb: {  	_ =	sfence  }
0xcc: {  	s30 =	sld [smem:$0x0];
	_ =	sdelay $0x2  }
0xcd: {  	s31 =	sshll.u32 s1, $0xD;
	s1 =	sshrl.u32 s1, $0x2  }
0xce: {  	s4 =	sand.u32 $0x4000, s31;
	s1 =	sadd.s32 s1, s30  }
0xcf: {  	s0 =	sor.u32 s4, s0;
	s1 =	sshll.u32 s1, $0x11  }
0xd0: {  	s0 =	sor.u32 s1, s0  }
0xd1: {  	s0 =	sadd.s32 $0x8F2B, s0  }
0xd2: {  	[sflag:s0] =	ssyncadd.remote.s32 $0x1  }
0xd3: {  	_ =	sfence.sel $0xFFFF  }
0xd4: {  	[dreg:$0x0] =	wrdreg $0xFFFFFFFF;
	(pc) =	sbr.abs _section_cstart, $3  }
0xd5: {  	[dreg:$0x1] =	wrdreg $0xFFFFFFFF  }
0xd6: {  	_ =	task.clear_ibuf [dreg:s22], $0x2FFFF;
	_ =	strace $0x9FFFFFFF  }
0xd7: {  	(tm) =	ssettm $0x7FFFFFFF  }
tec
execute0_lowered:
.L_overlay_start_1:
0x0: {  	(tag) =	ssettag $0x1  }
0x1: {  	s5 =	rddreg [dreg:$0x0]  }
0x2: {  	s6 =	rddreg [dreg:$0x1]  }
0x3: {  	s0 =	rddreg [dreg:$0x2];
	s3 =	srdreg.scid  }
0x4: {  	s2 =	simm.s32 $0x0;
	s1 =	stileid.u32;
	s11 =	simm.s32 $0x0  }
0x5: {  	s4 =	sand.u32 $0x1, s3;
	[smem:$0x7FF] =	sst s2;
	s30 =	sshll.u32 s1, $0x7  }
0x6: {  	s7 =	sshll.u32 s4, $0x6;
	_ =	strace $0x8000004D;
	s31 =	ssub.s32 $0x2, s4  }
0x7: {  	s4 =	sadd.s32 $0xC800, s5;
	s3 =	sor.u32 s7, s30;
	s9 =	sshrl.u32 s31, $0x1  }
0x8: {  	s8 =	sshrl.u32 s3, $0x3;
	s7 =	ssub.s32 s31, s9;
	s9 =	simm.s32 $0x880  }
0x9: {  	s10 =	sadd.s32 s8, s5;
	s5 =	sadd.s32 s6, s8;
	s7 =	smax.u32 s7, $0x1  }
0xa: {  	v0 =	vlaneseq.u32;
	s8 =	simm.s32 $0x1;
	s6 =	sadd.s32 $0x14800, s10;
	s10 =	simm.s32 $0x900  }
.LBB2_1:
0xb: {  	s12 =	simm.s32 $0x0  }
.LBB2_2:
0xc: {  	s13 =	sshll.u32 s12, $0x4  }
0xd: {  	s14 =	sadd.s32 s3, s13  }
0xe: {  	s14 =	sshll.u32 s14, $0x4  }
0xf: {  	s15 =	simm.s32 $0x0;
	s14 =	sadd.s32 s4, s14  }
0x10: {  	[tilespmem:s15], [sflag:$0x1] =	stream.linear.gather [hbm4b:s14+s15], $0x800, $0x38;
	[tilespmem:$0x980] =	vst v63  }
0x11: {  	_ =	swait.ge [sflag:s8], $0x800  }
0x12: {  	[sflag:s8] =	ssyncset.done $0x0  }
0x13: {  	s31 =	simm.s32 $0x20;
	[sflag:s8] =	ssyncadd.s32 $0xFFFFF800  }
0x14: {  	v1 =	vld [tilespmem:s31+$0xFFFFFFE0]  }
0x15: {  	v2 =	vld [tilespmem:s31+$0xFFFFFFF0]  }
0x16: {  	v3 =	vld [tilespmem:s31+$0x0]  }
0x17: {  	v4 =	vld [tilespmem:s31+$0x10];
	_ =	sdelay $0x2  }
0x18: {  	v1 =	vmax.f32 v1, v2  }
0x19: {  	v1 =	vmax.f32 v1, v3  }
0x1a: {  	v1 =	vmax.f32 v1, v4  }
0x1b: {  	[tilespmem:$0x800] =	vst v1  }
0x1c: {  	[tilespmem:$0x810] =	vst v1  }
0x1d: {  	v2 =	vld [tilespmem:$0x808];
	_ =	sdelay $0x4  }
0x1e: {  	v1 =	vmax.f32 v1, v2  }
0x1f: {  	[tilespmem:$0x800] =	vst v1  }
0x20: {  	[tilespmem:$0x810] =	vst v1  }
0x21: {  	v2 =	vld [tilespmem:$0x804];
	_ =	sdelay $0x4  }
0x22: {  	v1 =	vmax.f32 v1, v2  }
0x23: {  	[tilespmem:$0x800] =	vst v1  }
0x24: {  	[tilespmem:$0x810] =	vst v1  }
0x25: {  	v2 =	vld [tilespmem:$0x802];
	_ =	sdelay $0x4  }
0x26: {  	v2 =	vmax.f32 v1, v2  }
0x27: {  	[tilespmem:$0x800] =	vst v2  }
0x28: {  	[tilespmem:$0x810] =	vst v2  }
0x29: {  	v5 =	vmov s15;
	s15 =	simm.s32 $0xA0;
	v3 =	vld [tilespmem:$0x801]  }
0x2a: {  	s16 =	simm.s32 $0x2;
	vm0 =	veq.s32 v5, v0;
	s14 =	simm.s32 $0x1;
	v1 =	vimm.f32 $-1.000000000e+00;
	v4 =	vld [tilespmem:s15+$0xFFFFFFE0]  }
.LBB2_3:
0x2b: {  	p0 =	sne.s32 s16, $0xF;
	v5 =	vld [tilespmem:s15+$0xFFFFFFF0];
	s17 =	smov.u32 s16;
	s16 =	sadd.s32 $0x1, s16  }
0x2c: {  	v6 =	vld [tilespmem:s15+$0x0]  }
0x2d: {  	v7 =	vld [tilespmem:s15+$0x10]  }
0x2e: {  	v2 =	vmax.f32 v2, v3  }
0x2f: {  	v1 =	vsel vm0, v2, v1  }
0x30: {  	v2 =	vmax.f32 v4, v5  }
0x31: {  	v2 =	vmax.f32 v2, v6  }
0x32: {  	v2 =	vmax.f32 v2, v7  }
0x33: {  	[tilespmem:$0x800] =	vst v2  }
0x34: {  	[tilespmem:$0x810] =	vst v2  }
0x35: {  	v3 =	vld [tilespmem:$0x808];
	_ =	sdelay $0x4  }
0x36: {  	v2 =	vmax.f32 v2, v3  }
0x37: {  	[tilespmem:$0x800] =	vst v2  }
0x38: {  	[tilespmem:$0x810] =	vst v2  }
0x39: {  	v3 =	vld [tilespmem:$0x804];
	_ =	sdelay $0x4  }
0x3a: {  	v2 =	vmax.f32 v2, v3  }
0x3b: {  	[tilespmem:$0x800] =	vst v2  }
0x3c: {  	[tilespmem:$0x810] =	vst v2  }
0x3d: {  	v3 =	vld [tilespmem:$0x802];
	_ =	sdelay $0x4  }
.Ltmp0:
0x3e: {  	v2 =	vmax.f32 v2, v3;
	(pc) =	sbr.rel @p0 .LBB2_3-.Ltmp0, $4  }
0x3f: {  	[tilespmem:$0x800] =	vst v2  }
0x40: {  	[tilespmem:$0x810] =	vst v2  }
0x41: {  	s15 =	sadd.s32 $0x80, s15;
	v5 =	vmov s14;
	s14 =	smov.u32 s17;
	v3 =	vld [tilespmem:$0x801]  }
0x42: {  	vm0 =	veq.s32 v5, v0;
	v4 =	vld [tilespmem:s15+$0xFFFFFFE0]  }
0x43: {  	v5 =	vld [tilespmem:s15+$0xFFFFFFF0]  }
0x44: {  	v6 =	vld [tilespmem:s15+$0x0]  }
0x45: {  	v7 =	vld [tilespmem:s15+$0x10];
	_ =	sdelay $0x2  }
0x46: {  	v4 =	vmax.f32 v4, v5  }
0x47: {  	v4 =	vmax.f32 v4, v6  }
0x48: {  	v4 =	vmax.f32 v4, v7  }
0x49: {  	[tilespmem:$0x800] =	vst v4  }
0x4a: {  	[tilespmem:$0x810] =	vst v4  }
0x4b: {  	v60 =	vld [tilespmem:$0x808];
	_ =	sdelay $0x4  }
0x4c: {  	v4 =	vmax.f32 v4, v60  }
0x4d: {  	[tilespmem:$0x800] =	vst v4  }
0x4e: {  	[tilespmem:$0x810] =	vst v4  }
0x4f: {  	v61 =	vld [tilespmem:$0x804];
	_ =	sdelay $0x4  }
0x50: {  	v4 =	vmax.f32 v4, v61  }
0x51: {  	[tilespmem:$0x800] =	vst v4  }
0x52: {  	[tilespmem:$0x810] =	vst v4  }
0x53: {  	v62 =	vld [tilespmem:$0x802];
	_ =	sdelay $0x4  }
0x54: {  	v4 =	vmax.f32 v4, v62  }
0x55: {  	[tilespmem:$0x800] =	vst v4  }
0x56: {  	[tilespmem:$0x810] =	vst v4  }
0x57: {  	v63 =	vld [tilespmem:$0x801];
	_ =	sdelay $0x3  }
0x58: {  	v2 =	vmax.f32 v2, v3;
	v3 =	vmov s14  }
0x59: {  	v1 =	vsel vm0, v2, v1;
	vm15 =	veq.s32 v3, v0;
	v2 =	vmax.f32 v4, v63  }
0x5a: {  	v1 =	vsel vm15, v2, v1  }
0x5b: {  	v2 =	vtrunc.f32 v1  }
0x5c: {  	v2 =	vcvt.f32.s32 v2;
	_ =	sdelay $0x1  }
0x5d: {  	v2 =	vcvt.s32.f32 v2;
	_ =	sdelay $0x1  }
0x5e: {  	v1 =	vsub.f32 v1, v2;
	_ =	sdelay $0x1  }
0x5f: {  	s12 =	sadd.s32 $0x1, s12;
	v1 =	vmul.f32 $1.024000000e+03, v1  }
0x60: {  	p0 =	sne.s32 s12, $0x4  }
.Ltmp1:
0x61: {  	v1 =	vtrunc.f32 v1;
	(pc) =	sbr.rel @p0 .LBB2_2-.Ltmp1, $3  }
0x62: {  	v2 =	vmul.f32 $1.562500000e-02, v2;
	v1 =	vcvt.f32.s32 v1;
	_ =	sdelay $0x1  }
0x63: {  	[tilespmem:s13+$0x900] =	vst v2;
	v1 =	vsub.s32 $0x3FF, v1  }
0x64: {  	[tilespmem:s13+$0x880] =	vst v1  }
0x65: {  	[hbm4b:s5+s2] =	stream.linear.scatter [tilespmem:s9], [sflag:$0x1], $0x40, $0x38;
	[tilespmem:$0x980] =	vst v63  }
0x66: {  	s11 =	sadd.s32 $0x1, s11;
	_ =	swait.ge [sflag:s8], $0x40  }
0x67: {  	p0 =	sne.s32 s11, s7;
	[sflag:s8] =	ssyncset.done $0x0  }
.Ltmp2:
0x68: {  	[sflag:s8] =	ssyncadd.s32 $0xFFFFFFC0;
	(pc) =	sbr.rel @p0 .LBB2_1-.Ltmp2, $4  }
0x69: {  	[hbm4b:s6+s2] =	stream.linear.scatter [tilespmem:s10], [sflag:$0x1], $0x40, $0x38;
	[tilespmem:$0x980] =	vst v63  }
0x6a: {  	_ =	swait.ge [sflag:s8], $0x40  }
0x6b: {  	[sflag:s8] =	ssyncset.done $0x0  }
0x6c: {  	[sflag:s8] =	ssyncadd.s32 $0xFFFFFFC0  }
0x6d: {  	_ =	sfence.sel $0x180000  }
0x6e: {  	[bflag:$0x0] =	sbarrier.arrive $0xFFFF  }
0x6f: {  	p0 =	sne.s32 s1, $0x0;
	_ =	strace $0x9000004D  }
0x70: {  	s0 =	sadd.s32 @!p0 $0x100000, s0;
	[bflag:$0x2] =	sbarrier.arrive $0xFFFF  }
0x71: {  	[sflag:s0] =	ssyncadd.tile.s32 @!p0 $0x1;
	_ =	shalt  }
.Lfunc_end2:
_tile_overlayer_lowered:
.L_overlay_start_2:
0x72: {  	(tag) =	ssettag $0x2  }
0x73: {  	s0 =	rddreg [dreg:$0x0];
	s2 =	stileid.u32  }
0x74: {  	s1 =	rddreg [dreg:$0x1];
	p0 =	sne.s32 s2, $0x0  }
0x75: {  	s3 =	rddreg [dreg:$0x2];
	[bflag:$0x3] =	sbarrier.arrive $0xFFFF;
	s2 =	simm.s32 @!p0 $0x1C01  }
0x76: {  	[timem:s3], [sflag:s2] =	dma.local @!p0 [hbm:s0], s1  }
0x77: {  	s0 =	simm.s32 @!p0 $0x1  }
0x78: {  	_ =	swait.ge @!p0 [sflag:s0], s1  }
0x79: {  	s1 =	ssub.s32 @!p0 $0x0, s1;
	[sflag:s0] =	ssyncset.done @!p0 $0x0  }
0x7a: {  	[sflag:s0] =	ssyncadd.s32 @!p0 s1  }
0x7b: {  	[bflag:$0x3] =	sbarrier.arrive $0xFFFF  }
0x7c: {  	_ =	shalt  }

</sc_bundles>
